<compile_context>
chip_gen: v7x
topology: tpu7x:2x2x1
jax: 0.10.2.dev20260603
libtpu: 0.0.44.dev20260713+nightly
codegen_flags: <defaults>
</compile_context>

<pallas_src>
import functools

import jax
import jax.numpy as jnp
from jax import lax
from jax.experimental import pallas as pl
from jax.experimental.pallas import tpu as pltpu
from jax.experimental.pallas import tpu_sc as plsc

N_NODES = 50000
N_EDGES = 800000
D_IN = 64
D_OUT = 64
H = 32
NC, NS = 2, 16
LANE = 128
EROWS = 6400
EPAD = EROWS * LANE - N_EDGES
NPAD = 50048
SCRAP = NPAD - 1
SROWS = NPAD // NS
DEG_W = 8
TROWS = EROWS // NS
BLK = 8
NBODY = TROWS // (2 * BLK)
DROWS = EROWS // (NC * NS)
DNBLK = DROWS // BLK
NRING = 6

_mesh = plsc.VectorSubcoreMesh(
    core_axis_name="c", subcore_axis_name="s", num_cores=NC, num_subcores=NS)
_sc_params = pltpu.CompilerParams(use_tc_tiling_on_sc=False)


@functools.partial(
    pl.kernel,
    out_type=(jax.ShapeDtypeStruct((NPAD, DEG_W), jnp.float32),
              jax.ShapeDtypeStruct((NPAD, DEG_W), jnp.float32)),
    mesh=_mesh,
    scratch_types=[
        pltpu.VMEM((BLK, LANE), jnp.int32),
        pltpu.VMEM((LANE, DEG_W), jnp.float32),
        pltpu.SemaphoreType.DMA,
        pltpu.VMEM_SHARED((NPAD, DEG_W), jnp.float32),
    ],
    compiler_params=_sc_params,
)
def _deg_kernel(dst_hbm, ones_hbm, zeros_hbm, deg0_hbm, deg1_hbm,
                dstb, ones_v, sem, deg_s):
    c = lax.axis_index("c")
    s = lax.axis_index("s")
    wid = c * NS + s
    base_rows = s * SROWS
    pltpu.sync_copy(ones_hbm, ones_v)
    pltpu.sync_copy(zeros_hbm, deg_s.at[pl.ds(base_rows, SROWS)])
    plsc.subcore_barrier()
    wbase = wid * DROWS

    def body(k, carry):
        pltpu.sync_copy(dst_hbm.at[pl.ds(wbase + k * BLK, BLK)], dstb)
        descs = [
            pltpu.async_copy(ones_v, deg_s.at[dstb.at[j]], sem, add=True)
            for j in range(BLK)
        ]
        for d in descs:
            d.wait()
        return carry

    lax.fori_loop(0, DNBLK, body, 0)
    plsc.subcore_barrier()

    @pl.when(c == 0)
    def _():
        pltpu.sync_copy(deg_s.at[pl.ds(base_rows, SROWS)],
                        deg0_hbm.at[pl.ds(base_rows, SROWS)])

    @pl.when(c == 1)
    def _():
        pltpu.sync_copy(deg_s.at[pl.ds(base_rows, SROWS)],
                        deg1_hbm.at[pl.ds(base_rows, SROWS)])


@functools.partial(
    pl.kernel,
    out_type=(jax.ShapeDtypeStruct((NPAD, H), jnp.bfloat16),
              jax.ShapeDtypeStruct((NPAD, H), jnp.bfloat16)),
    mesh=_mesh,
    scratch_types=[
        [pltpu.VMEM((BLK, LANE), jnp.int32)] * 2,
        [pltpu.VMEM((BLK, LANE), jnp.int32)] * 2,
        [pltpu.VMEM((LANE, H), jnp.bfloat16)] * NRING,
        [pltpu.SemaphoreType.DMA] * 2,
        [pltpu.SemaphoreType.DMA] * NRING,
        [pltpu.SemaphoreType.DMA] * NRING,
        pltpu.VMEM_SHARED((NPAD, H), jnp.bfloat16),
    ],
    compiler_params=_sc_params,
)
def _edge_kernel(src_hbm, dst_hbm, h2_hbm, zeros_hbm, acc0_hbm, acc1_hbm,
                 srcb, dstb, rows, isems, gsems, ssems, acc_s):
    c = lax.axis_index("c")
    s = lax.axis_index("s")
    base_rows = s * SROWS
    pltpu.sync_copy(zeros_hbm, acc_s.at[pl.ds(base_rows, SROWS)])
    plsc.subcore_barrier()
    tb = s * TROWS

    def iload(blk_idx, buf):
        base = blk_idx * BLK
        a = pltpu.async_copy(
            src_hbm.at[pl.ds(c * EROWS + tb + base, BLK)], srcb[buf],
            isems[buf])
        b = pltpu.async_copy(
            dst_hbm.at[pl.ds(tb + base, BLK)], dstb[buf], isems[buf])
        return a, b

    def iwait(buf):
        pltpu.make_async_copy(
            src_hbm.at[pl.ds(tb, BLK)], srcb[buf], isems[buf]).wait()
        pltpu.make_async_copy(
            dst_hbm.at[pl.ds(tb, BLK)], dstb[buf], isems[buf]).wait()

    iload(0, 0)
    iload(1, 1)

    def body(m, carry):
        iwait(0)
        gd = [None] * NRING
        sd = [None] * NRING
        nrows = 2 * BLK
        for t in range(nrows + NRING - 1):
            slot = t % NRING
            if t == BLK:
                iwait(1)
            if t < nrows:
                if sd[slot] is not None:
                    sd[slot].wait()
                    sd[slot] = None
                srow = srcb[0].at[t] if t < BLK else srcb[1].at[t - BLK]
                gd[slot] = pltpu.async_copy(
                    h2_hbm.at[srow], rows[slot], gsems[slot])
            if t >= NRING - 1:
                r = t - (NRING - 1)
                rs = r % NRING
                gd[rs].wait()
                drow = dstb[0].at[r] if r < BLK else dstb[1].at[r - BLK]
                sd[rs] = pltpu.async_copy(
                    rows[rs], acc_s.at[drow], ssems[rs], add=True)
            if t == BLK + NRING - 1:
                @pl.when(m < NBODY - 1)
                def _():
                    iload(2 * m + 2, 0)
        for slot in range(NRING):
            if sd[slot] is not None:
                sd[slot].wait()

        @pl.when(m < NBODY - 1)
        def _():
            iload(2 * m + 3, 1)
        return carry

    lax.fori_loop(0, NBODY, body, 0)
    plsc.subcore_barrier()

    @pl.when(c == 0)
    def _():
        pltpu.sync_copy(acc_s.at[pl.ds(base_rows, SROWS)],
                        acc0_hbm.at[pl.ds(base_rows, SROWS)])

    @pl.when(c == 1)
    def _():
        pltpu.sync_copy(acc_s.at[pl.ds(base_rows, SROWS)],
                        acc1_hbm.at[pl.ds(base_rows, SROWS)])


_RB = 2000
_NBLK_TC = N_NODES // _RB


def _mm_body(x_ref, w_ref, d0_ref, d1_ref, h2_ref, dis_ref):
    deg = d0_ref[:, 0:1] + d1_ref[:, 0:1] + 1.0
    dis = lax.rsqrt(deg)
    h = jnp.dot(x_ref[...], w_ref[0], preferred_element_type=jnp.float32)
    h2_ref[...] = (h * dis).astype(jnp.bfloat16)
    dis_ref[...] = dis


def _combine_body(a0_ref, a1_ref, h2a_ref, h2b_ref, dis_ref,
                  b0_ref, b1_ref, out_ref):
    dis = dis_ref[...]
    a0 = a0_ref[...].astype(jnp.float32)
    a1 = a1_ref[...].astype(jnp.float32)
    h2a = h2a_ref[...].astype(jnp.float32)
    h2b = h2b_ref[...].astype(jnp.float32)
    o0 = dis * (a0 + h2a) + b0_ref[...]
    o1 = dis * (a1 + h2b) + b1_ref[...]
    out_ref[...] = jnp.concatenate([o0, o1], axis=1)


def kernel(x, edge_index, W, b):
    src_pad = jnp.concatenate(
        [edge_index[0], jnp.zeros((EPAD,), jnp.int32)])
    dst_pad = jnp.concatenate(
        [edge_index[1], jnp.full((EPAD,), SCRAP, jnp.int32)])
    src01 = jnp.concatenate(
        [src_pad, src_pad + N_NODES]).reshape(NC * EROWS, LANE)
    dst2 = dst_pad.reshape(EROWS, LANE)
    wsplit = jnp.stack([W[:, :H], W[:, H:]])
    ones_deg = jnp.ones((LANE, DEG_W), jnp.float32)
    zeros_deg = jnp.zeros((SROWS, DEG_W), jnp.float32)
    zeros_acc = jnp.zeros((SROWS, H), jnp.bfloat16)

    deg0, deg1 = _deg_kernel(dst2, ones_deg, zeros_deg)

    h2flat, dis = pl.pallas_call(
        _mm_body,
        grid=(_NBLK_TC, 2),
        in_specs=[
            pl.BlockSpec((_RB, D_IN), lambda i, p: (i, 0)),
            pl.BlockSpec((1, D_IN, H), lambda i, p: (p, 0, 0)),
            pl.BlockSpec((_RB, DEG_W), lambda i, p: (i, 0)),
            pl.BlockSpec((_RB, DEG_W), lambda i, p: (i, 0)),
        ],
        out_specs=[
            pl.BlockSpec((_RB, H), lambda i, p: (p * _NBLK_TC + i, 0)),
            pl.BlockSpec((_RB, 1), lambda i, p: (i, 0)),
        ],
        out_shape=[
            jax.ShapeDtypeStruct((2 * N_NODES, H), jnp.bfloat16),
            jax.ShapeDtypeStruct((N_NODES, 1), jnp.float32),
        ],
    )(x, wsplit, deg0, deg1)

    acc0, acc1 = _edge_kernel(src01, dst2, h2flat, zeros_acc)

    out = pl.pallas_call(
        _combine_body,
        grid=(_NBLK_TC,),
        in_specs=[
            pl.BlockSpec((_RB, H), lambda i: (i, 0)),
            pl.BlockSpec((_RB, H), lambda i: (i, 0)),
            pl.BlockSpec((_RB, H), lambda i: (i, 0)),
            pl.BlockSpec((_RB, H), lambda i: (i + _NBLK_TC, 0)),
            pl.BlockSpec((_RB, 1), lambda i: (i, 0)),
            pl.BlockSpec((1, H), lambda i: (0, 0)),
            pl.BlockSpec((1, H), lambda i: (0, 0)),
        ],
        out_specs=pl.BlockSpec((_RB, D_OUT), lambda i: (i, 0)),
        out_shape=jax.ShapeDtypeStruct((N_NODES, D_OUT), jnp.float32),
    )(acc0, acc1, h2flat, h2flat, dis,
      b[:H].reshape(1, H), b[H:].reshape(1, H))
    return out

# --- scband reference (transcript-rebuilt; emitter-appended) ---
"""Pipeline reference for scband-sane-embedding-gcn-56856777064960 (READ-ONLY COPY).

The authoritative reference and input builder live on the scoring server;
editing this copy changes nothing except your own understanding.
"""

import jax, jax.numpy as jnp
import numpy as np

N_NODES = 50000
N_EDGES = 800000
D_IN = 64
D_OUT = 64


def setup_inputs(seed: int = 0) -> dict:
    key = jax.random.key(seed)
    k1, k2, k3 = jax.random.split(key, 3)
    x = jax.random.normal(k1, (N_NODES, D_IN), dtype=jnp.float32)
    edge_index = jax.random.randint(k2, (2, N_EDGES), 0, N_NODES, dtype=jnp.int32)
    W = jax.random.normal(k3, (D_IN, D_OUT), dtype=jnp.float32) / jnp.sqrt(D_IN)
    b = jnp.zeros((D_OUT,), dtype=jnp.float32)
    return {"x": x, "edge_index": edge_index, "W": W, "b": b}


def reference(x, edge_index, W, b):
    # GCNConv (Kipf & Welling): out = D^{-1/2} (A + I) D^{-1/2} (x W) + b
    N = x.shape[0]
    loop = jnp.arange(N, dtype=edge_index.dtype)
    src = jnp.concatenate([edge_index[0], loop])
    dst = jnp.concatenate([edge_index[1], loop])
    # degree of destination nodes (with self loops, edge weight 1)
    deg = jnp.zeros((N,), dtype=x.dtype).at[dst].add(1.0)
    deg_inv_sqrt = jnp.where(deg > 0, 1.0 / jnp.sqrt(deg), 0.0)
    norm = deg_inv_sqrt[src] * deg_inv_sqrt[dst]
    h = x @ W
    msg = h[src] * norm[:, None]
    out = jnp.zeros((N, h.shape[1]), dtype=x.dtype).at[dst].add(msg)
    return out + b

if __name__ == "__main__":
    import jax
    _d = setup_inputs()
    print(jax.jit(kernel)(*tuple(_d.values())))

</pallas_src>

<mosaic_0001>
#map = affine_map<(d0, d1) -> (0, 0)>
module attributes {stable_mosaic.version = 14 : i64} {
  func.func @_edge_kernel(%arg0: i32, %arg1: i32, %arg2: memref<12800x128xi32, #tpu.memory_space<hbm>>, %arg3: memref<6400x128xi32, #tpu.memory_space<hbm>>, %arg4: memref<100000x32xbf16, #tpu.memory_space<hbm>>, %arg5: memref<3128x32xbf16, #tpu.memory_space<hbm>>, %arg6: memref<50048x32xbf16, #tpu.memory_space<hbm>>, %arg7: memref<50048x32xbf16, #tpu.memory_space<hbm>>, %arg8: memref<8x128xi32, #tpu.memory_space<vmem>>, %arg9: memref<8x128xi32, #tpu.memory_space<vmem>>, %arg10: memref<8x128xi32, #tpu.memory_space<vmem>>, %arg11: memref<8x128xi32, #tpu.memory_space<vmem>>, %arg12: memref<128x32xbf16, #tpu.memory_space<vmem>>, %arg13: memref<128x32xbf16, #tpu.memory_space<vmem>>, %arg14: memref<128x32xbf16, #tpu.memory_space<vmem>>, %arg15: memref<128x32xbf16, #tpu.memory_space<vmem>>, %arg16: memref<128x32xbf16, #tpu.memory_space<vmem>>, %arg17: memref<128x32xbf16, #tpu.memory_space<vmem>>, %arg18: memref<!tpu.dma_semaphore, #tpu.memory_space<semaphore_mem>>, %arg19: memref<!tpu.dma_semaphore, #tpu.memory_space<semaphore_mem>>, %arg20: memref<!tpu.dma_semaphore, #tpu.memory_space<semaphore_mem>>, %arg21: memref<!tpu.dma_semaphore, #tpu.memory_space<semaphore_mem>>, %arg22: memref<!tpu.dma_semaphore, #tpu.memory_space<semaphore_mem>>, %arg23: memref<!tpu.dma_semaphore, #tpu.memory_space<semaphore_mem>>, %arg24: memref<!tpu.dma_semaphore, #tpu.memory_space<semaphore_mem>>, %arg25: memref<!tpu.dma_semaphore, #tpu.memory_space<semaphore_mem>>, %arg26: memref<!tpu.dma_semaphore, #tpu.memory_space<semaphore_mem>>, %arg27: memref<!tpu.dma_semaphore, #tpu.memory_space<semaphore_mem>>, %arg28: memref<!tpu.dma_semaphore, #tpu.memory_space<semaphore_mem>>, %arg29: memref<!tpu.dma_semaphore, #tpu.memory_space<semaphore_mem>>, %arg30: memref<!tpu.dma_semaphore, #tpu.memory_space<semaphore_mem>>, %arg31: memref<!tpu.dma_semaphore, #tpu.memory_space<semaphore_mem>>, %arg32: memref<50048x32xbf16, #tpu.memory_space<vmem_shared>>) attributes {dimension_semantics = [#tpu.dimension_semantics<core_parallel>, #tpu.dimension_semantics<subcore_parallel>], iteration_bounds = array<i64: 2, 16>, scalar_prefetch = 0 : i64, scratch_operands = 25 : i64, tpu.core_type = #tpu.core_type<sc_vector_subcore>, window_params = [{transform_indices = #map}, {transform_indices = #map}, {transform_indices = #map}, {transform_indices = #map}, {transform_indices = #map}, {transform_indices = #map}]} {
    %mul3A = arith.constant 3128 : i32
    %mul3A_0 = arith.muli %arg1, %mul3A : i32
    "tpu.region"() ({
      %run_scoped3A = tpu.sem_alloc : memref<!tpu.dma_semaphore, #tpu.memory_space<semaphore_mem>>
      %dma_start3A_44 = arith.constant 0 : i32
      %dma_start3A_45 = tpu.memref_slice %arg32[%mul3A_0, %dma_start3A_44] : memref<50048x32xbf16, #tpu.memory_space<vmem_shared>> -> memref<3128x32xbf16, #tpu.memory_space<vmem_shared>>
      tpu.enqueue_dma source(%arg5 : memref<3128x32xbf16, #tpu.memory_space<hbm>>) target(%dma_start3A_45 : memref<3128x32xbf16, #tpu.memory_space<vmem_shared>>) target_semaphore(%run_scoped3A : memref<!tpu.dma_semaphore, #tpu.memory_space<semaphore_mem>>)
      %dma_wait3A = arith.constant 0 : i32
      %dma_wait3A_46 = tpu.memref_slice %arg32[%mul3A_0, %dma_wait3A] : memref<50048x32xbf16, #tpu.memory_space<vmem_shared>> -> memref<3128x32xbf16, #tpu.memory_space<vmem_shared>>
      tpu.wait_dma2 semaphore(%run_scoped3A : memref<!tpu.dma_semaphore, #tpu.memory_space<semaphore_mem>>) src(%arg5 : memref<3128x32xbf16, #tpu.memory_space<hbm>>) dst(%dma_wait3A_46 : memref<3128x32xbf16, #tpu.memory_space<vmem_shared>>)
      tpu.yield
    }) : () -> ()
    %barrier3A = arith.constant 0 : index
    tpu.barrier barrier_id(%barrier3A)
    %mul3A_1 = arith.constant 400 : i32
    %mul3A_2 = arith.muli %arg1, %mul3A_1 : i32
    %mul3A_3 = arith.constant 6400 : i32
    %mul3A_4 = arith.muli %arg0, %mul3A_3 : i32
    %add3A = arith.addi %mul3A_4, %mul3A_2 : i32
    %add3A_5 = arith.constant 0 : i32
    %add3A_6 = arith.addi %add3A, %add3A_5 : i32
    %dma_start3A = arith.constant 0 : i32
    %dma_start3A_7 = tpu.memref_slice %arg2[%add3A_6, %dma_start3A] : memref<12800x128xi32, #tpu.memory_space<hbm>> -> memref<8x128xi32, #tpu.memory_space<hbm>>
    %dma_start3A_8 = arith.constant 0 : i32
    %dma_start3A_9 = tpu.memref_slice %arg2[%add3A_6, %dma_start3A_8] : memref<12800x128xi32, #tpu.memory_space<hbm>> -> memref<8x128xi32, #tpu.memory_space<hbm>>
    tpu.enqueue_dma source(%dma_start3A_9 : memref<8x128xi32, #tpu.memory_space<hbm>>) target(%arg8 : memref<8x128xi32, #tpu.memory_space<vmem>>) target_semaphore(%arg18 : memref<!tpu.dma_semaphore, #tpu.memory_space<semaphore_mem>>)
    %add3A_10 = arith.constant 0 : i32
    %add3A_11 = arith.addi %mul3A_2, %add3A_10 : i32
    %dma_start3A_12 = arith.constant 0 : i32
    %dma_start3A_13 = tpu.memref_slice %arg3[%add3A_11, %dma_start3A_12] : memref<6400x128xi32, #tpu.memory_space<hbm>> -> memref<8x128xi32, #tpu.memory_space<hbm>>
    %dma_start3A_14 = arith.constant 0 : i32
    %dma_start3A_15 = tpu.memref_slice %arg3[%add3A_11, %dma_start3A_14] : memref<6400x128xi32, #tpu.memory_space<hbm>> -> memref<8x128xi32, #tpu.memory_space<hbm>>
    tpu.enqueue_dma source(%dma_start3A_15 : memref<8x128xi32, #tpu.memory_space<hbm>>) target(%arg10 : memref<8x128xi32, #tpu.memory_space<vmem>>) target_semaphore(%arg18 : memref<!tpu.dma_semaphore, #tpu.memory_space<semaphore_mem>>)
    %mul3A_16 = arith.constant 6400 : i32
    %mul3A_17 = arith.muli %arg0, %mul3A_16 : i32
    %add3A_18 = arith.addi %mul3A_17, %mul3A_2 : i32
    %add3A_19 = arith.constant 8 : i32
    %add3A_20 = arith.addi %add3A_18, %add3A_19 : i32
    %dma_start3A_21 = arith.constant 0 : i32
    %dma_start3A_22 = tpu.memref_slice %arg2[%add3A_20, %dma_start3A_21] : memref<12800x128xi32, #tpu.memory_space<hbm>> -> memref<8x128xi32, #tpu.memory_space<hbm>>
    %dma_start3A_23 = arith.constant 0 : i32
    %dma_start3A_24 = tpu.memref_slice %arg2[%add3A_20, %dma_start3A_23] : memref<12800x128xi32, #tpu.memory_space<hbm>> -> memref<8x128xi32, #tpu.memory_space<hbm>>
    tpu.enqueue_dma source(%dma_start3A_24 : memref<8x128xi32, #tpu.memory_space<hbm>>) target(%arg9 : memref<8x128xi32, #tpu.memory_space<vmem>>) target_semaphore(%arg19 : memref<!tpu.dma_semaphore, #tpu.memory_space<semaphore_mem>>)
    %add3A_25 = arith.constant 8 : i32
    %add3A_26 = arith.addi %mul3A_2, %add3A_25 : i32
    %dma_start3A_27 = arith.constant 0 : i32
    %dma_start3A_28 = tpu.memref_slice %arg3[%add3A_26, %dma_start3A_27] : memref<6400x128xi32, #tpu.memory_space<hbm>> -> memref<8x128xi32, #tpu.memory_space<hbm>>
    %dma_start3A_29 = arith.constant 0 : i32
    %dma_start3A_30 = tpu.memref_slice %arg3[%add3A_26, %dma_start3A_29] : memref<6400x128xi32, #tpu.memory_space<hbm>> -> memref<8x128xi32, #tpu.memory_space<hbm>>
    tpu.enqueue_dma source(%dma_start3A_30 : memref<8x128xi32, #tpu.memory_space<hbm>>) target(%arg11 : memref<8x128xi32, #tpu.memory_space<vmem>>) target_semaphore(%arg19 : memref<!tpu.dma_semaphore, #tpu.memory_space<semaphore_mem>>)
    %scan3A = arith.constant 0 : i32
    %scan3A_31 = arith.constant 0 : i32
    %scan3A_32 = arith.constant 25 : i32
    %scan3A_33 = arith.addi %scan3A_31, %scan3A_32 : i32
    %scan3A_34 = arith.constant 1 : i32
    scf.for %scan3A_44 = %scan3A_31 to %scan3A_33 step %scan3A_34  : i32 {
      %dma_wait3A = arith.constant 0 : i32
      %dma_wait3A_45 = tpu.memref_slice %arg2[%mul3A_2, %dma_wait3A] : memref<12800x128xi32, #tpu.memory_space<hbm>> -> memref<8x128xi32, #tpu.memory_space<hbm>>
      %dma_wait3A_46 = arith.constant 0 : i32
      %dma_wait3A_47 = tpu.memref_slice %arg2[%mul3A_2, %dma_wait3A_46] : memref<12800x128xi32, #tpu.memory_space<hbm>> -> memref<8x128xi32, #tpu.memory_space<hbm>>
      tpu.wait_dma2 semaphore(%arg18 : memref<!tpu.dma_semaphore, #tpu.memory_space<semaphore_mem>>) src(%dma_wait3A_47 : memref<8x128xi32, #tpu.memory_space<hbm>>) dst(%arg8 : memref<8x128xi32, #tpu.memory_space<vmem>>)
      %dma_wait3A_48 = arith.constant 0 : i32
      %dma_wait3A_49 = tpu.memref_slice %arg3[%mul3A_2, %dma_wait3A_48] : memref<6400x128xi32, #tpu.memory_space<hbm>> -> memref<8x128xi32, #tpu.memory_space<hbm>>
      %dma_wait3A_50 = arith.constant 0 : i32
      %dma_wait3A_51 = tpu.memref_slice %arg3[%mul3A_2, %dma_wait3A_50] : memref<6400x128xi32, #tpu.memory_space<hbm>> -> memref<8x128xi32, #tpu.memory_space<hbm>>
      tpu.wait_dma2 semaphore(%arg18 : memref<!tpu.dma_semaphore, #tpu.memory_space<semaphore_mem>>) src(%dma_wait3A_51 : memref<8x128xi32, #tpu.memory_space<hbm>>) dst(%arg10 : memref<8x128xi32, #tpu.memory_space<vmem>>)
      %dma_start3A_52 = arith.constant 0 : i32
      %dma_start3A_53 = arith.constant 0 : i32
      %dma_start3A_54 = tpu.memref_slice %arg8[%dma_start3A_52, %dma_start3A_53] : memref<8x128xi32, #tpu.memory_space<vmem>> -> memref<1x128xi32, #tpu.memory_space<vmem>>
      %dma_start3A_55 = tpu.memref_squeeze %dma_start3A_54 : memref<1x128xi32, #tpu.memory_space<vmem>> -> memref<128xi32, #tpu.memory_space<vmem>>
      %dma_start3A_56 = arith.constant 0 : i32
      %dma_start3A_57 = arith.constant 0 : i32
      %dma_start3A_58 = tpu.memref_slice %arg4[%dma_start3A_56, %dma_start3A_57] : memref<100000x32xbf16, #tpu.memory_space<hbm>> -> memref<100000x32xbf16, #tpu.memory_space<hbm>>
      tpu.enqueue_indirect_dma source(%dma_start3A_58 : memref<100000x32xbf16, #tpu.memory_space<hbm>>) target(%arg12 : memref<128x32xbf16, #tpu.memory_space<vmem>>) offsets(%dma_start3A_55 : memref<128xi32, #tpu.memory_space<vmem>>) semaphore(%arg20 : memref<!tpu.dma_semaphore, #tpu.memory_space<semaphore_mem>>)
      %dma_start3A_59 = arith.constant 1 : i32
      %dma_start3A_60 = arith.constant 0 : i32
      %dma_start3A_61 = tpu.memref_slice %arg8[%dma_start3A_59, %dma_start3A_60] : memref<8x128xi32, #tpu.memory_space<vmem>> -> memref<1x128xi32, #tpu.memory_space<vmem>>
      %dma_start3A_62 = tpu.memref_squeeze %dma_start3A_61 : memref<1x128xi32, #tpu.memory_space<vmem>> -> memref<128xi32, #tpu.memory_space<vmem>>
      %dma_start3A_63 = arith.constant 0 : i32
      %dma_start3A_64 = arith.constant 0 : i32
      %dma_start3A_65 = tpu.memref_slice %arg4[%dma_start3A_63, %dma_start3A_64] : memref<100000x32xbf16, #tpu.memory_space<hbm>> -> memref<100000x32xbf16, #tpu.memory_space<hbm>>
      tpu.enqueue_indirect_dma source(%dma_start3A_65 : memref<100000x32xbf16, #tpu.memory_space<hbm>>) target(%arg13 : memref<128x32xbf16, #tpu.memory_space<vmem>>) offsets(%dma_start3A_62 : memref<128xi32, #tpu.memory_space<vmem>>) semaphore(%arg21 : memref<!tpu.dma_semaphore, #tpu.memory_space<semaphore_mem>>)
      %dma_start3A_66 = arith.constant 2 : i32
      %dma_start3A_67 = arith.constant 0 : i32
      %dma_start3A_68 = tpu.memref_slice %arg8[%dma_start3A_66, %dma_start3A_67] : memref<8x128xi32, #tpu.memory_space<vmem>> -> memref<1x128xi32, #tpu.memory_space<vmem>>
      %dma_start3A_69 = tpu.memref_squeeze %dma_start3A_68 : memref<1x128xi32, #tpu.memory_space<vmem>> -> memref<128xi32, #tpu.memory_space<vmem>>
      %dma_start3A_70 = arith.constant 0 : i32
      %dma_start3A_71 = arith.constant 0 : i32
      %dma_start3A_72 = tpu.memref_slice %arg4[%dma_start3A_70, %dma_start3A_71] : memref<100000x32xbf16, #tpu.memory_space<hbm>> -> memref<100000x32xbf16, #tpu.memory_space<hbm>>
      tpu.enqueue_indirect_dma source(%dma_start3A_72 : memref<100000x32xbf16, #tpu.memory_space<hbm>>) target(%arg14 : memref<128x32xbf16, #tpu.memory_space<vmem>>) offsets(%dma_start3A_69 : memref<128xi32, #tpu.memory_space<vmem>>) semaphore(%arg22 : memref<!tpu.dma_semaphore, #tpu.memory_space<semaphore_mem>>)
      %dma_start3A_73 = arith.constant 3 : i32
      %dma_start3A_74 = arith.constant 0 : i32
      %dma_start3A_75 = tpu.memref_slice %arg8[%dma_start3A_73, %dma_start3A_74] : memref<8x128xi32, #tpu.memory_space<vmem>> -> memref<1x128xi32, #tpu.memory_space<vmem>>
      %dma_start3A_76 = tpu.memref_squeeze %dma_start3A_75 : memref<1x128xi32, #tpu.memory_space<vmem>> -> memref<128xi32, #tpu.memory_space<vmem>>
      %dma_start3A_77 = arith.constant 0 : i32
      %dma_start3A_78 = arith.constant 0 : i32
      %dma_start3A_79 = tpu.memref_slice %arg4[%dma_start3A_77, %dma_start3A_78] : memref<100000x32xbf16, #tpu.memory_space<hbm>> -> memref<100000x32xbf16, #tpu.memory_space<hbm>>
      tpu.enqueue_indirect_dma source(%dma_start3A_79 : memref<100000x32xbf16, #tpu.memory_space<hbm>>) target(%arg15 : memref<128x32xbf16, #tpu.memory_space<vmem>>) offsets(%dma_start3A_76 : memref<128xi32, #tpu.memory_space<vmem>>) semaphore(%arg23 : memref<!tpu.dma_semaphore, #tpu.memory_space<semaphore_mem>>)
      %dma_start3A_80 = arith.constant 4 : i32
      %dma_start3A_81 = arith.constant 0 : i32
      %dma_start3A_82 = tpu.memref_slice %arg8[%dma_start3A_80, %dma_start3A_81] : memref<8x128xi32, #tpu.memory_space<vmem>> -> memref<1x128xi32, #tpu.memory_space<vmem>>
      %dma_start3A_83 = tpu.memref_squeeze %dma_start3A_82 : memref<1x128xi32, #tpu.memory_space<vmem>> -> memref<128xi32, #tpu.memory_space<vmem>>
      %dma_start3A_84 = arith.constant 0 : i32
      %dma_start3A_85 = arith.constant 0 : i32
      %dma_start3A_86 = tpu.memref_slice %arg4[%dma_start3A_84, %dma_start3A_85] : memref<100000x32xbf16, #tpu.memory_space<hbm>> -> memref<100000x32xbf16, #tpu.memory_space<hbm>>
      tpu.enqueue_indirect_dma source(%dma_start3A_86 : memref<100000x32xbf16, #tpu.memory_space<hbm>>) target(%arg16 : memref<128x32xbf16, #tpu.memory_space<vmem>>) offsets(%dma_start3A_83 : memref<128xi32, #tpu.memory_space<vmem>>) semaphore(%arg24 : memref<!tpu.dma_semaphore, #tpu.memory_space<semaphore_mem>>)
      %dma_start3A_87 = arith.constant 5 : i32
      %dma_start3A_88 = arith.constant 0 : i32
      %dma_start3A_89 = tpu.memref_slice %arg8[%dma_start3A_87, %dma_start3A_88] : memref<8x128xi32, #tpu.memory_space<vmem>> -> memref<1x128xi32, #tpu.memory_space<vmem>>
      %dma_start3A_90 = tpu.memref_squeeze %dma_start3A_89 : memref<1x128xi32, #tpu.memory_space<vmem>> -> memref<128xi32, #tpu.memory_space<vmem>>
      %dma_start3A_91 = arith.constant 0 : i32
      %dma_start3A_92 = arith.constant 0 : i32
      %dma_start3A_93 = tpu.memref_slice %arg4[%dma_start3A_91, %dma_start3A_92] : memref<100000x32xbf16, #tpu.memory_space<hbm>> -> memref<100000x32xbf16, #tpu.memory_space<hbm>>
      tpu.enqueue_indirect_dma source(%dma_start3A_93 : memref<100000x32xbf16, #tpu.memory_space<hbm>>) target(%arg17 : memref<128x32xbf16, #tpu.memory_space<vmem>>) offsets(%dma_start3A_90 : memref<128xi32, #tpu.memory_space<vmem>>) semaphore(%arg25 : memref<!tpu.dma_semaphore, #tpu.memory_space<semaphore_mem>>)
      %dma_wait3A_94 = arith.constant 0 : i32
      %dma_wait3A_95 = arith.constant 0 : i32
      %dma_wait3A_96 = tpu.memref_slice %arg8[%dma_wait3A_94, %dma_wait3A_95] : memref<8x128xi32, #tpu.memory_space<vmem>> -> memref<1x128xi32, #tpu.memory_space<vmem>>
      %dma_wait3A_97 = tpu.memref_squeeze %dma_wait3A_96 : memref<1x128xi32, #tpu.memory_space<vmem>> -> memref<128xi32, #tpu.memory_space<vmem>>
      %dma_wait3A_98 = arith.constant 0 : i32
      %dma_wait3A_99 = arith.constant 0 : i32
      %dma_wait3A_100 = tpu.memref_slice %arg4[%dma_wait3A_98, %dma_wait3A_99] : memref<100000x32xbf16, #tpu.memory_space<hbm>> -> memref<100000x32xbf16, #tpu.memory_space<hbm>>
      tpu.wait_indirect_dma semaphore(%arg20 : memref<!tpu.dma_semaphore, #tpu.memory_space<semaphore_mem>>) src(%dma_wait3A_100 : memref<100000x32xbf16, #tpu.memory_space<hbm>>) dst(%arg12 : memref<128x32xbf16, #tpu.memory_space<vmem>>)
      %dma_start3A_101 = arith.constant 0 : i32
      %dma_start3A_102 = arith.constant 0 : i32
      %dma_start3A_103 = tpu.memref_slice %arg10[%dma_start3A_101, %dma_start3A_102] : memref<8x128xi32, #tpu.memory_space<vmem>> -> memref<1x128xi32, #tpu.memory_space<vmem>>
      %dma_start3A_104 = tpu.memref_squeeze %dma_start3A_103 : memref<1x128xi32, #tpu.memory_space<vmem>> -> memref<128xi32, #tpu.memory_space<vmem>>
      %dma_start3A_105 = arith.constant 0 : i32
      %dma_start3A_106 = arith.constant 0 : i32
      %dma_start3A_107 = tpu.memref_slice %arg32[%dma_start3A_105, %dma_start3A_106] : memref<50048x32xbf16, #tpu.memory_space<vmem_shared>> -> memref<50048x32xbf16, #tpu.memory_space<vmem_shared>>
      tpu.enqueue_indirect_dma source(%arg12 : memref<128x32xbf16, #tpu.memory_space<vmem>>) target(%dma_start3A_107 : memref<50048x32xbf16, #tpu.memory_space<vmem_shared>>) offsets(%dma_start3A_104 : memref<128xi32, #tpu.memory_space<vmem>>) semaphore(%arg26 : memref<!tpu.dma_semaphore, #tpu.memory_space<semaphore_mem>>) {add = true}
      %dma_wait3A_108 = arith.constant 0 : i32
      %dma_wait3A_109 = arith.constant 0 : i32
      %dma_wait3A_110 = tpu.memref_slice %arg10[%dma_wait3A_108, %dma_wait3A_109] : memref<8x128xi32, #tpu.memory_space<vmem>> -> memref<1x128xi32, #tpu.memory_space<vmem>>
      %dma_wait3A_111 = tpu.memref_squeeze %dma_wait3A_110 : memref<1x128xi32, #tpu.memory_space<vmem>> -> memref<128xi32, #tpu.memory_space<vmem>>
      %dma_wait3A_112 = arith.constant 0 : i32
      %dma_wait3A_113 = arith.constant 0 : i32
      %dma_wait3A_114 = tpu.memref_slice %arg32[%dma_wait3A_112, %dma_wait3A_113] : memref<50048x32xbf16, #tpu.memory_space<vmem_shared>> -> memref<50048x32xbf16, #tpu.memory_space<vmem_shared>>
      tpu.wait_indirect_dma semaphore(%arg26 : memref<!tpu.dma_semaphore, #tpu.memory_space<semaphore_mem>>) src(%arg12 : memref<128x32xbf16, #tpu.memory_space<vmem>>) dst(%dma_wait3A_114 : memref<50048x32xbf16, #tpu.memory_space<vmem_shared>>)
      %dma_start3A_115 = arith.constant 6 : i32
      %dma_start3A_116 = arith.constant 0 : i32
      %dma_start3A_117 = tpu.memref_slice %arg8[%dma_start3A_115, %dma_start3A_116] : memref<8x128xi32, #tpu.memory_space<vmem>> -> memref<1x128xi32, #tpu.memory_space<vmem>>
      %dma_start3A_118 = tpu.memref_squeeze %dma_start3A_117 : memref<1x128xi32, #tpu.memory_space<vmem>> -> memref<128xi32, #tpu.memory_space<vmem>>
      %dma_start3A_119 = arith.constant 0 : i32
      %dma_start3A_120 = arith.constant 0 : i32
      %dma_start3A_121 = tpu.memref_slice %arg4[%dma_start3A_119, %dma_start3A_120] : memref<100000x32xbf16, #tpu.memory_space<hbm>> -> memref<100000x32xbf16, #tpu.memory_space<hbm>>
      tpu.enqueue_indirect_dma source(%dma_start3A_121 : memref<100000x32xbf16, #tpu.memory_space<hbm>>) target(%arg12 : memref<128x32xbf16, #tpu.memory_space<vmem>>) offsets(%dma_start3A_118 : memref<128xi32, #tpu.memory_space<vmem>>) semaphore(%arg20 : memref<!tpu.dma_semaphore, #tpu.memory_space<semaphore_mem>>)
      %dma_wait3A_122 = arith.constant 1 : i32
      %dma_wait3A_123 = arith.constant 0 : i32
      %dma_wait3A_124 = tpu.memref_slice %arg8[%dma_wait3A_122, %dma_wait3A_123] : memref<8x128xi32, #tpu.memory_space<vmem>> -> memref<1x128xi32, #tpu.memory_space<vmem>>
      %dma_wait3A_125 = tpu.memref_squeeze %dma_wait3A_124 : memref<1x128xi32, #tpu.memory_space<vmem>> -> memref<128xi32, #tpu.memory_space<vmem>>
      %dma_wait3A_126 = arith.constant 0 : i32
      %dma_wait3A_127 = arith.constant 0 : i32
      %dma_wait3A_128 = tpu.memref_slice %arg4[%dma_wait3A_126, %dma_wait3A_127] : memref<100000x32xbf16, #tpu.memory_space<hbm>> -> memref<100000x32xbf16, #tpu.memory_space<hbm>>
      tpu.wait_indirect_dma semaphore(%arg21 : memref<!tpu.dma_semaphore, #tpu.memory_space<semaphore_mem>>) src(%dma_wait3A_128 : memref<100000x32xbf16, #tpu.memory_space<hbm>>) dst(%arg13 : memref<128x32xbf16, #tpu.memory_space<vmem>>)
      %dma_start3A_129 = arith.constant 1 : i32
      %dma_start3A_130 = arith.constant 0 : i32
      %dma_start3A_131 = tpu.memref_slice %arg10[%dma_start3A_129, %dma_start3A_130] : memref<8x128xi32, #tpu.memory_space<vmem>> -> memref<1x128xi32, #tpu.memory_space<vmem>>
      %dma_start3A_132 = tpu.memref_squeeze %dma_start3A_131 : memref<1x128xi32, #tpu.memory_space<vmem>> -> memref<128xi32, #tpu.memory_space<vmem>>
      %dma_start3A_133 = arith.constant 0 : i32
      %dma_start3A_134 = arith.constant 0 : i32
      %dma_start3A_135 = tpu.memref_slice %arg32[%dma_start3A_133, %dma_start3A_134] : memref<50048x32xbf16, #tpu.memory_space<vmem_shared>> -> memref<50048x32xbf16, #tpu.memory_space<vmem_shared>>
      tpu.enqueue_indirect_dma source(%arg13 : memref<128x32xbf16, #tpu.memory_space<vmem>>) target(%dma_start3A_135 : memref<50048x32xbf16, #tpu.memory_space<vmem_shared>>) offsets(%dma_start3A_132 : memref<128xi32, #tpu.memory_space<vmem>>) semaphore(%arg27 : memref<!tpu.dma_semaphore, #tpu.memory_space<semaphore_mem>>) {add = true}
      %dma_wait3A_136 = arith.constant 1 : i32
      %dma_wait3A_137 = arith.constant 0 : i32
      %dma_wait3A_138 = tpu.memref_slice %arg10[%dma_wait3A_136, %dma_wait3A_137] : memref<8x128xi32, #tpu.memory_space<vmem>> -> memref<1x128xi32, #tpu.memory_space<vmem>>
      %dma_wait3A_139 = tpu.memref_squeeze %dma_wait3A_138 : memref<1x128xi32, #tpu.memory_space<vmem>> -> memref<128xi32, #tpu.memory_space<vmem>>
      %dma_wait3A_140 = arith.constant 0 : i32
      %dma_wait3A_141 = arith.constant 0 : i32
      %dma_wait3A_142 = tpu.memref_slice %arg32[%dma_wait3A_140, %dma_wait3A_141] : memref<50048x32xbf16, #tpu.memory_space<vmem_shared>> -> memref<50048x32xbf16, #tpu.memory_space<vmem_shared>>
      tpu.wait_indirect_dma semaphore(%arg27 : memref<!tpu.dma_semaphore, #tpu.memory_space<semaphore_mem>>) src(%arg13 : memref<128x32xbf16, #tpu.memory_space<vmem>>) dst(%dma_wait3A_142 : memref<50048x32xbf16, #tpu.memory_space<vmem_shared>>)
      %dma_start3A_143 = arith.constant 7 : i32
      %dma_start3A_144 = arith.constant 0 : i32
      %dma_start3A_145 = tpu.memref_slice %arg8[%dma_start3A_143, %dma_start3A_144] : memref<8x128xi32, #tpu.memory_space<vmem>> -> memref<1x128xi32, #tpu.memory_space<vmem>>
      %dma_start3A_146 = tpu.memref_squeeze %dma_start3A_145 : memref<1x128xi32, #tpu.memory_space<vmem>> -> memref<128xi32, #tpu.memory_space<vmem>>
      %dma_start3A_147 = arith.constant 0 : i32
      %dma_start3A_148 = arith.constant 0 : i32
      %dma_start3A_149 = tpu.memref_slice %arg4[%dma_start3A_147, %dma_start3A_148] : memref<100000x32xbf16, #tpu.memory_space<hbm>> -> memref<100000x32xbf16, #tpu.memory_space<hbm>>
      tpu.enqueue_indirect_dma source(%dma_start3A_149 : memref<100000x32xbf16, #tpu.memory_space<hbm>>) target(%arg13 : memref<128x32xbf16, #tpu.memory_space<vmem>>) offsets(%dma_start3A_146 : memref<128xi32, #tpu.memory_space<vmem>>) semaphore(%arg21 : memref<!tpu.dma_semaphore, #tpu.memory_space<semaphore_mem>>)
      %dma_wait3A_150 = arith.constant 2 : i32
      %dma_wait3A_151 = arith.constant 0 : i32
      %dma_wait3A_152 = tpu.memref_slice %arg8[%dma_wait3A_150, %dma_wait3A_151] : memref<8x128xi32, #tpu.memory_space<vmem>> -> memref<1x128xi32, #tpu.memory_space<vmem>>
      %dma_wait3A_153 = tpu.memref_squeeze %dma_wait3A_152 : memref<1x128xi32, #tpu.memory_space<vmem>> -> memref<128xi32, #tpu.memory_space<vmem>>
      %dma_wait3A_154 = arith.constant 0 : i32
      %dma_wait3A_155 = arith.constant 0 : i32
      %dma_wait3A_156 = tpu.memref_slice %arg4[%dma_wait3A_154, %dma_wait3A_155] : memref<100000x32xbf16, #tpu.memory_space<hbm>> -> memref<100000x32xbf16, #tpu.memory_space<hbm>>
      tpu.wait_indirect_dma semaphore(%arg22 : memref<!tpu.dma_semaphore, #tpu.memory_space<semaphore_mem>>) src(%dma_wait3A_156 : memref<100000x32xbf16, #tpu.memory_space<hbm>>) dst(%arg14 : memref<128x32xbf16, #tpu.memory_space<vmem>>)
      %dma_start3A_157 = arith.constant 2 : i32
      %dma_start3A_158 = arith.constant 0 : i32
      %dma_start3A_159 = tpu.memref_slice %arg10[%dma_start3A_157, %dma_start3A_158] : memref<8x128xi32, #tpu.memory_space<vmem>> -> memref<1x128xi32, #tpu.memory_space<vmem>>
      %dma_start3A_160 = tpu.memref_squeeze %dma_start3A_159 : memref<1x128xi32, #tpu.memory_space<vmem>> -> memref<128xi32, #tpu.memory_space<vmem>>
      %dma_start3A_161 = arith.constant 0 : i32
      %dma_start3A_162 = arith.constant 0 : i32
      %dma_start3A_163 = tpu.memref_slice %arg32[%dma_start3A_161, %dma_start3A_162] : memref<50048x32xbf16, #tpu.memory_space<vmem_shared>> -> memref<50048x32xbf16, #tpu.memory_space<vmem_shared>>
      tpu.enqueue_indirect_dma source(%arg14 : memref<128x32xbf16, #tpu.memory_space<vmem>>) target(%dma_start3A_163 : memref<50048x32xbf16, #tpu.memory_space<vmem_shared>>) offsets(%dma_start3A_160 : memref<128xi32, #tpu.memory_space<vmem>>) semaphore(%arg28 : memref<!tpu.dma_semaphore, #tpu.memory_space<semaphore_mem>>) {add = true}
      %dma_wait3A_164 = arith.constant 0 : i32
      %dma_wait3A_165 = tpu.memref_slice %arg2[%mul3A_2, %dma_wait3A_164] : memref<12800x128xi32, #tpu.memory_space<hbm>> -> memref<8x128xi32, #tpu.memory_space<hbm>>
      %dma_wait3A_166 = arith.constant 0 : i32
      %dma_wait3A_167 = tpu.memref_slice %arg2[%mul3A_2, %dma_wait3A_166] : memref<12800x128xi32, #tpu.memory_space<hbm>> -> memref<8x128xi32, #tpu.memory_space<hbm>>
      tpu.wait_dma2 semaphore(%arg19 : memref<!tpu.dma_semaphore, #tpu.memory_space<semaphore_mem>>) src(%dma_wait3A_167 : memref<8x128xi32, #tpu.memory_space<hbm>>) dst(%arg9 : memref<8x128xi32, #tpu.memory_space<vmem>>)
      %dma_wait3A_168 = arith.constant 0 : i32
      %dma_wait3A_169 = tpu.memref_slice %arg3[%mul3A_2, %dma_wait3A_168] : memref<6400x128xi32, #tpu.memory_space<hbm>> -> memref<8x128xi32, #tpu.memory_space<hbm>>
      %dma_wait3A_170 = arith.constant 0 : i32
      %dma_wait3A_171 = tpu.memref_slice %arg3[%mul3A_2, %dma_wait3A_170] : memref<6400x128xi32, #tpu.memory_space<hbm>> -> memref<8x128xi32, #tpu.memory_space<hbm>>
      tpu.wait_dma2 semaphore(%arg19 : memref<!tpu.dma_semaphore, #tpu.memory_space<semaphore_mem>>) src(%dma_wait3A_171 : memref<8x128xi32, #tpu.memory_space<hbm>>) dst(%arg11 : memref<8x128xi32, #tpu.memory_space<vmem>>)
      %dma_wait3A_172 = arith.constant 2 : i32
      %dma_wait3A_173 = arith.constant 0 : i32
      %dma_wait3A_174 = tpu.memref_slice %arg10[%dma_wait3A_172, %dma_wait3A_173] : memref<8x128xi32, #tpu.memory_space<vmem>> -> memref<1x128xi32, #tpu.memory_space<vmem>>
      %dma_wait3A_175 = tpu.memref_squeeze %dma_wait3A_174 : memref<1x128xi32, #tpu.memory_space<vmem>> -> memref<128xi32, #tpu.memory_space<vmem>>
      %dma_wait3A_176 = arith.constant 0 : i32
      %dma_wait3A_177 = arith.constant 0 : i32
      %dma_wait3A_178 = tpu.memref_slice %arg32[%dma_wait3A_176, %dma_wait3A_177] : memref<50048x32xbf16, #tpu.memory_space<vmem_shared>> -> memref<50048x32xbf16, #tpu.memory_space<vmem_shared>>
      tpu.wait_indirect_dma semaphore(%arg28 : memref<!tpu.dma_semaphore, #tpu.memory_space<semaphore_mem>>) src(%arg14 : memref<128x32xbf16, #tpu.memory_space<vmem>>) dst(%dma_wait3A_178 : memref<50048x32xbf16, #tpu.memory_space<vmem_shared>>)
      %dma_start3A_179 = arith.constant 0 : i32
      %dma_start3A_180 = arith.constant 0 : i32
      %dma_start3A_181 = tpu.memref_slice %arg9[%dma_start3A_179, %dma_start3A_180] : memref<8x128xi32, #tpu.memory_space<vmem>> -> memref<1x128xi32, #tpu.memory_space<vmem>>
      %dma_start3A_182 = tpu.memref_squeeze %dma_start3A_181 : memref<1x128xi32, #tpu.memory_space<vmem>> -> memref<128xi32, #tpu.memory_space<vmem>>
      %dma_start3A_183 = arith.constant 0 : i32
      %dma_start3A_184 = arith.constant 0 : i32
      %dma_start3A_185 = tpu.memref_slice %arg4[%dma_start3A_183, %dma_start3A_184] : memref<100000x32xbf16, #tpu.memory_space<hbm>> -> memref<100000x32xbf16, #tpu.memory_space<hbm>>
      tpu.enqueue_indirect_dma source(%dma_start3A_185 : memref<100000x32xbf16, #tpu.memory_space<hbm>>) target(%arg14 : memref<128x32xbf16, #tpu.memory_space<vmem>>) offsets(%dma_start3A_182 : memref<128xi32, #tpu.memory_space<vmem>>) semaphore(%arg22 : memref<!tpu.dma_semaphore, #tpu.memory_space<semaphore_mem>>)
      %dma_wait3A_186 = arith.constant 3 : i32
      %dma_wait3A_187 = arith.constant 0 : i32
      %dma_wait3A_188 = tpu.memref_slice %arg8[%dma_wait3A_186, %dma_wait3A_187] : memref<8x128xi32, #tpu.memory_space<vmem>> -> memref<1x128xi32, #tpu.memory_space<vmem>>
      %dma_wait3A_189 = tpu.memref_squeeze %dma_wait3A_188 : memref<1x128xi32, #tpu.memory_space<vmem>> -> memref<128xi32, #tpu.memory_space<vmem>>
      %dma_wait3A_190 = arith.constant 0 : i32
      %dma_wait3A_191 = arith.constant 0 : i32
      %dma_wait3A_192 = tpu.memref_slice %arg4[%dma_wait3A_190, %dma_wait3A_191] : memref<100000x32xbf16, #tpu.memory_space<hbm>> -> memref<100000x32xbf16, #tpu.memory_space<hbm>>
      tpu.wait_indirect_dma semaphore(%arg23 : memref<!tpu.dma_semaphore, #tpu.memory_space<semaphore_mem>>) src(%dma_wait3A_192 : memref<100000x32xbf16, #tpu.memory_space<hbm>>) dst(%arg15 : memref<128x32xbf16, #tpu.memory_space<vmem>>)
      %dma_start3A_193 = arith.constant 3 : i32
      %dma_start3A_194 = arith.constant 0 : i32
      %dma_start3A_195 = tpu.memref_slice %arg10[%dma_start3A_193, %dma_start3A_194] : memref<8x128xi32, #tpu.memory_space<vmem>> -> memref<1x128xi32, #tpu.memory_space<vmem>>
      %dma_start3A_196 = tpu.memref_squeeze %dma_start3A_195 : memref<1x128xi32, #tpu.memory_space<vmem>> -> memref<128xi32, #tpu.memory_space<vmem>>
      %dma_start3A_197 = arith.constant 0 : i32
      %dma_start3A_198 = arith.constant 0 : i32
      %dma_start3A_199 = tpu.memref_slice %arg32[%dma_start3A_197, %dma_start3A_198] : memref<50048x32xbf16, #tpu.memory_space<vmem_shared>> -> memref<50048x32xbf16, #tpu.memory_space<vmem_shared>>
      tpu.enqueue_indirect_dma source(%arg15 : memref<128x32xbf16, #tpu.memory_space<vmem>>) target(%dma_start3A_199 : memref<50048x32xbf16, #tpu.memory_space<vmem_shared>>) offsets(%dma_start3A_196 : memref<128xi32, #tpu.memory_space<vmem>>) semaphore(%arg29 : memref<!tpu.dma_semaphore, #tpu.memory_space<semaphore_mem>>) {add = true}
      %dma_wait3A_200 = arith.constant 3 : i32
      %dma_wait3A_201 = arith.constant 0 : i32
      %dma_wait3A_202 = tpu.memref_slice %arg10[%dma_wait3A_200, %dma_wait3A_201] : memref<8x128xi32, #tpu.memory_space<vmem>> -> memref<1x128xi32, #tpu.memory_space<vmem>>
      %dma_wait3A_203 = tpu.memref_squeeze %dma_wait3A_202 : memref<1x128xi32, #tpu.memory_space<vmem>> -> memref<128xi32, #tpu.memory_space<vmem>>
      %dma_wait3A_204 = arith.constant 0 : i32
      %dma_wait3A_205 = arith.constant 0 : i32
      %dma_wait3A_206 = tpu.memref_slice %arg32[%dma_wait3A_204, %dma_wait3A_205] : memref<50048x32xbf16, #tpu.memory_space<vmem_shared>> -> memref<50048x32xbf16, #tpu.memory_space<vmem_shared>>
      tpu.wait_indirect_dma semaphore(%arg29 : memref<!tpu.dma_semaphore, #tpu.memory_space<semaphore_mem>>) src(%arg15 : memref<128x32xbf16, #tpu.memory_space<vmem>>) dst(%dma_wait3A_206 : memref<50048x32xbf16, #tpu.memory_space<vmem_shared>>)
      %dma_start3A_207 = arith.constant 1 : i32
      %dma_start3A_208 = arith.constant 0 : i32
      %dma_start3A_209 = tpu.memref_slice %arg9[%dma_start3A_207, %dma_start3A_208] : memref<8x128xi32, #tpu.memory_space<vmem>> -> memref<1x128xi32, #tpu.memory_space<vmem>>
      %dma_start3A_210 = tpu.memref_squeeze %dma_start3A_209 : memref<1x128xi32, #tpu.memory_space<vmem>> -> memref<128xi32, #tpu.memory_space<vmem>>
      %dma_start3A_211 = arith.constant 0 : i32
      %dma_start3A_212 = arith.constant 0 : i32
      %dma_start3A_213 = tpu.memref_slice %arg4[%dma_start3A_211, %dma_start3A_212] : memref<100000x32xbf16, #tpu.memory_space<hbm>> -> memref<100000x32xbf16, #tpu.memory_space<hbm>>
      tpu.enqueue_indirect_dma source(%dma_start3A_213 : memref<100000x32xbf16, #tpu.memory_space<hbm>>) target(%arg15 : memref<128x32xbf16, #tpu.memory_space<vmem>>) offsets(%dma_start3A_210 : memref<128xi32, #tpu.memory_space<vmem>>) semaphore(%arg23 : memref<!tpu.dma_semaphore, #tpu.memory_space<semaphore_mem>>)
      %dma_wait3A_214 = arith.constant 4 : i32
      %dma_wait3A_215 = arith.constant 0 : i32
      %dma_wait3A_216 = tpu.memref_slice %arg8[%dma_wait3A_214, %dma_wait3A_215] : memref<8x128xi32, #tpu.memory_space<vmem>> -> memref<1x128xi32, #tpu.memory_space<vmem>>
      %dma_wait3A_217 = tpu.memref_squeeze %dma_wait3A_216 : memref<1x128xi32, #tpu.memory_space<vmem>> -> memref<128xi32, #tpu.memory_space<vmem>>
      %dma_wait3A_218 = arith.constant 0 : i32
      %dma_wait3A_219 = arith.constant 0 : i32
      %dma_wait3A_220 = tpu.memref_slice %arg4[%dma_wait3A_218, %dma_wait3A_219] : memref<100000x32xbf16, #tpu.memory_space<hbm>> -> memref<100000x32xbf16, #tpu.memory_space<hbm>>
      tpu.wait_indirect_dma semaphore(%arg24 : memref<!tpu.dma_semaphore, #tpu.memory_space<semaphore_mem>>) src(%dma_wait3A_220 : memref<100000x32xbf16, #tpu.memory_space<hbm>>) dst(%arg16 : memref<128x32xbf16, #tpu.memory_space<vmem>>)
      %dma_start3A_221 = arith.constant 4 : i32
      %dma_start3A_222 = arith.constant 0 : i32
      %dma_start3A_223 = tpu.memref_slice %arg10[%dma_start3A_221, %dma_start3A_222] : memref<8x128xi32, #tpu.memory_space<vmem>> -> memref<1x128xi32, #tpu.memory_space<vmem>>
      %dma_start3A_224 = tpu.memref_squeeze %dma_start3A_223 : memref<1x128xi32, #tpu.memory_space<vmem>> -> memref<128xi32, #tpu.memory_space<vmem>>
      %dma_start3A_225 = arith.constant 0 : i32
      %dma_start3A_226 = arith.constant 0 : i32
      %dma_start3A_227 = tpu.memref_slice %arg32[%dma_start3A_225, %dma_start3A_226] : memref<50048x32xbf16, #tpu.memory_space<vmem_shared>> -> memref<50048x32xbf16, #tpu.memory_space<vmem_shared>>
      tpu.enqueue_indirect_dma source(%arg16 : memref<128x32xbf16, #tpu.memory_space<vmem>>) target(%dma_start3A_227 : memref<50048x32xbf16, #tpu.memory_space<vmem_shared>>) offsets(%dma_start3A_224 : memref<128xi32, #tpu.memory_space<vmem>>) semaphore(%arg30 : memref<!tpu.dma_semaphore, #tpu.memory_space<semaphore_mem>>) {add = true}
      %dma_wait3A_228 = arith.constant 4 : i32
      %dma_wait3A_229 = arith.constant 0 : i32
      %dma_wait3A_230 = tpu.memref_slice %arg10[%dma_wait3A_228, %dma_wait3A_229] : memref<8x128xi32, #tpu.memory_space<vmem>> -> memref<1x128xi32, #tpu.memory_space<vmem>>
      %dma_wait3A_231 = tpu.memref_squeeze %dma_wait3A_230 : memref<1x128xi32, #tpu.memory_space<vmem>> -> memref<128xi32, #tpu.memory_space<vmem>>
      %dma_wait3A_232 = arith.constant 0 : i32
      %dma_wait3A_233 = arith.constant 0 : i32
      %dma_wait3A_234 = tpu.memref_slice %arg32[%dma_wait3A_232, %dma_wait3A_233] : memref<50048x32xbf16, #tpu.memory_space<vmem_shared>> -> memref<50048x32xbf16, #tpu.memory_space<vmem_shared>>
      tpu.wait_indirect_dma semaphore(%arg30 : memref<!tpu.dma_semaphore, #tpu.memory_space<semaphore_mem>>) src(%arg16 : memref<128x32xbf16, #tpu.memory_space<vmem>>) dst(%dma_wait3A_234 : memref<50048x32xbf16, #tpu.memory_space<vmem_shared>>)
      %dma_start3A_235 = arith.constant 2 : i32
      %dma_start3A_236 = arith.constant 0 : i32
      %dma_start3A_237 = tpu.memref_slice %arg9[%dma_start3A_235, %dma_start3A_236] : memref<8x128xi32, #tpu.memory_space<vmem>> -> memref<1x128xi32, #tpu.memory_space<vmem>>
      %dma_start3A_238 = tpu.memref_squeeze %dma_start3A_237 : memref<1x128xi32, #tpu.memory_space<vmem>> -> memref<128xi32, #tpu.memory_space<vmem>>
      %dma_start3A_239 = arith.constant 0 : i32
      %dma_start3A_240 = arith.constant 0 : i32
      %dma_start3A_241 = tpu.memref_slice %arg4[%dma_start3A_239, %dma_start3A_240] : memref<100000x32xbf16, #tpu.memory_space<hbm>> -> memref<100000x32xbf16, #tpu.memory_space<hbm>>
      tpu.enqueue_indirect_dma source(%dma_start3A_241 : memref<100000x32xbf16, #tpu.memory_space<hbm>>) target(%arg16 : memref<128x32xbf16, #tpu.memory_space<vmem>>) offsets(%dma_start3A_238 : memref<128xi32, #tpu.memory_space<vmem>>) semaphore(%arg24 : memref<!tpu.dma_semaphore, #tpu.memory_space<semaphore_mem>>)
      %dma_wait3A_242 = arith.constant 5 : i32
      %dma_wait3A_243 = arith.constant 0 : i32
      %dma_wait3A_244 = tpu.memref_slice %arg8[%dma_wait3A_242, %dma_wait3A_243] : memref<8x128xi32, #tpu.memory_space<vmem>> -> memref<1x128xi32, #tpu.memory_space<vmem>>
      %dma_wait3A_245 = tpu.memref_squeeze %dma_wait3A_244 : memref<1x128xi32, #tpu.memory_space<vmem>> -> memref<128xi32, #tpu.memory_space<vmem>>
      %dma_wait3A_246 = arith.constant 0 : i32
      %dma_wait3A_247 = arith.constant 0 : i32
      %dma_wait3A_248 = tpu.memref_slice %arg4[%dma_wait3A_246, %dma_wait3A_247] : memref<100000x32xbf16, #tpu.memory_space<hbm>> -> memref<100000x32xbf16, #tpu.memory_space<hbm>>
      tpu.wait_indirect_dma semaphore(%arg25 : memref<!tpu.dma_semaphore, #tpu.memory_space<semaphore_mem>>) src(%dma_wait3A_248 : memref<100000x32xbf16, #tpu.memory_space<hbm>>) dst(%arg17 : memref<128x32xbf16, #tpu.memory_space<vmem>>)
      %dma_start3A_249 = arith.constant 5 : i32
      %dma_start3A_250 = arith.constant 0 : i32
      %dma_start3A_251 = tpu.memref_slice %arg10[%dma_start3A_249, %dma_start3A_250] : memref<8x128xi32, #tpu.memory_space<vmem>> -> memref<1x128xi32, #tpu.memory_space<vmem>>
      %dma_start3A_252 = tpu.memref_squeeze %dma_start3A_251 : memref<1x128xi32, #tpu.memory_space<vmem>> -> memref<128xi32, #tpu.memory_space<vmem>>
      %dma_start3A_253 = arith.constant 0 : i32
      %dma_start3A_254 = arith.constant 0 : i32
      %dma_start3A_255 = tpu.memref_slice %arg32[%dma_start3A_253, %dma_start3A_254] : memref<50048x32xbf16, #tpu.memory_space<vmem_shared>> -> memref<50048x32xbf16, #tpu.memory_space<vmem_shared>>
      tpu.enqueue_indirect_dma source(%arg17 : memref<128x32xbf16, #tpu.memory_space<vmem>>) target(%dma_start3A_255 : memref<50048x32xbf16, #tpu.memory_space<vmem_shared>>) offsets(%dma_start3A_252 : memref<128xi32, #tpu.memory_space<vmem>>) semaphore(%arg31 : memref<!tpu.dma_semaphore, #tpu.memory_space<semaphore_mem>>) {add = true}
      %dma_wait3A_256 = arith.constant 5 : i32
      %dma_wait3A_257 = arith.constant 0 : i32
      %dma_wait3A_258 = tpu.memref_slice %arg10[%dma_wait3A_256, %dma_wait3A_257] : memref<8x128xi32, #tpu.memory_space<vmem>> -> memref<1x128xi32, #tpu.memory_space<vmem>>
      %dma_wait3A_259 = tpu.memref_squeeze %dma_wait3A_258 : memref<1x128xi32, #tpu.memory_space<vmem>> -> memref<128xi32, #tpu.memory_space<vmem>>
      %dma_wait3A_260 = arith.constant 0 : i32
      %dma_wait3A_261 = arith.constant 0 : i32
      %dma_wait3A_262 = tpu.memref_slice %arg32[%dma_wait3A_260, %dma_wait3A_261] : memref<50048x32xbf16, #tpu.memory_space<vmem_shared>> -> memref<50048x32xbf16, #tpu.memory_space<vmem_shared>>
      tpu.wait_indirect_dma semaphore(%arg31 : memref<!tpu.dma_semaphore, #tpu.memory_space<semaphore_mem>>) src(%arg17 : memref<128x32xbf16, #tpu.memory_space<vmem>>) dst(%dma_wait3A_262 : memref<50048x32xbf16, #tpu.memory_space<vmem_shared>>)
      %dma_start3A_263 = arith.constant 3 : i32
      %dma_start3A_264 = arith.constant 0 : i32
      %dma_start3A_265 = tpu.memref_slice %arg9[%dma_start3A_263, %dma_start3A_264] : memref<8x128xi32, #tpu.memory_space<vmem>> -> memref<1x128xi32, #tpu.memory_space<vmem>>
      %dma_start3A_266 = tpu.memref_squeeze %dma_start3A_265 : memref<1x128xi32, #tpu.memory_space<vmem>> -> memref<128xi32, #tpu.memory_space<vmem>>
      %dma_start3A_267 = arith.constant 0 : i32
      %dma_start3A_268 = arith.constant 0 : i32
      %dma_start3A_269 = tpu.memref_slice %arg4[%dma_start3A_267, %dma_start3A_268] : memref<100000x32xbf16, #tpu.memory_space<hbm>> -> memref<100000x32xbf16, #tpu.memory_space<hbm>>
      tpu.enqueue_indirect_dma source(%dma_start3A_269 : memref<100000x32xbf16, #tpu.memory_space<hbm>>) target(%arg17 : memref<128x32xbf16, #tpu.memory_space<vmem>>) offsets(%dma_start3A_266 : memref<128xi32, #tpu.memory_space<vmem>>) semaphore(%arg25 : memref<!tpu.dma_semaphore, #tpu.memory_space<semaphore_mem>>)
      %dma_wait3A_270 = arith.constant 6 : i32
      %dma_wait3A_271 = arith.constant 0 : i32
      %dma_wait3A_272 = tpu.memref_slice %arg8[%dma_wait3A_270, %dma_wait3A_271] : memref<8x128xi32, #tpu.memory_space<vmem>> -> memref<1x128xi32, #tpu.memory_space<vmem>>
      %dma_wait3A_273 = tpu.memref_squeeze %dma_wait3A_272 : memref<1x128xi32, #tpu.memory_space<vmem>> -> memref<128xi32, #tpu.memory_space<vmem>>
      %dma_wait3A_274 = arith.constant 0 : i32
      %dma_wait3A_275 = arith.constant 0 : i32
      %dma_wait3A_276 = tpu.memref_slice %arg4[%dma_wait3A_274, %dma_wait3A_275] : memref<100000x32xbf16, #tpu.memory_space<hbm>> -> memref<100000x32xbf16, #tpu.memory_space<hbm>>
      tpu.wait_indirect_dma semaphore(%arg20 : memref<!tpu.dma_semaphore, #tpu.memory_space<semaphore_mem>>) src(%dma_wait3A_276 : memref<100000x32xbf16, #tpu.memory_space<hbm>>) dst(%arg12 : memref<128x32xbf16, #tpu.memory_space<vmem>>)
      %dma_start3A_277 = arith.constant 6 : i32
      %dma_start3A_278 = arith.constant 0 : i32
      %dma_start3A_279 = tpu.memref_slice %arg10[%dma_start3A_277, %dma_start3A_278] : memref<8x128xi32, #tpu.memory_space<vmem>> -> memref<1x128xi32, #tpu.memory_space<vmem>>
      %dma_start3A_280 = tpu.memref_squeeze %dma_start3A_279 : memref<1x128xi32, #tpu.memory_space<vmem>> -> memref<128xi32, #tpu.memory_space<vmem>>
      %dma_start3A_281 = arith.constant 0 : i32
      %dma_start3A_282 = arith.constant 0 : i32
      %dma_start3A_283 = tpu.memref_slice %arg32[%dma_start3A_281, %dma_start3A_282] : memref<50048x32xbf16, #tpu.memory_space<vmem_shared>> -> memref<50048x32xbf16, #tpu.memory_space<vmem_shared>>
      tpu.enqueue_indirect_dma source(%arg12 : memref<128x32xbf16, #tpu.memory_space<vmem>>) target(%dma_start3A_283 : memref<50048x32xbf16, #tpu.memory_space<vmem_shared>>) offsets(%dma_start3A_280 : memref<128xi32, #tpu.memory_space<vmem>>) semaphore(%arg26 : memref<!tpu.dma_semaphore, #tpu.memory_space<semaphore_mem>>) {add = true}
      %dma_wait3A_284 = arith.constant 6 : i32
      %dma_wait3A_285 = arith.constant 0 : i32
      %dma_wait3A_286 = tpu.memref_slice %arg10[%dma_wait3A_284, %dma_wait3A_285] : memref<8x128xi32, #tpu.memory_space<vmem>> -> memref<1x128xi32, #tpu.memory_space<vmem>>
      %dma_wait3A_287 = tpu.memref_squeeze %dma_wait3A_286 : memref<1x128xi32, #tpu.memory_space<vmem>> -> memref<128xi32, #tpu.memory_space<vmem>>
      %dma_wait3A_288 = arith.constant 0 : i32
      %dma_wait3A_289 = arith.constant 0 : i32
      %dma_wait3A_290 = tpu.memref_slice %arg32[%dma_wait3A_288, %dma_wait3A_289] : memref<50048x32xbf16, #tpu.memory_space<vmem_shared>> -> memref<50048x32xbf16, #tpu.memory_space<vmem_shared>>
      tpu.wait_indirect_dma semaphore(%arg26 : memref<!tpu.dma_semaphore, #tpu.memory_space<semaphore_mem>>) src(%arg12 : memref<128x32xbf16, #tpu.memory_space<vmem>>) dst(%dma_wait3A_290 : memref<50048x32xbf16, #tpu.memory_space<vmem_shared>>)
      %dma_start3A_291 = arith.constant 4 : i32
      %dma_start3A_292 = arith.constant 0 : i32
      %dma_start3A_293 = tpu.memref_slice %arg9[%dma_start3A_291, %dma_start3A_292] : memref<8x128xi32, #tpu.memory_space<vmem>> -> memref<1x128xi32, #tpu.memory_space<vmem>>
      %dma_start3A_294 = tpu.memref_squeeze %dma_start3A_293 : memref<1x128xi32, #tpu.memory_space<vmem>> -> memref<128xi32, #tpu.memory_space<vmem>>
      %dma_start3A_295 = arith.constant 0 : i32
      %dma_start3A_296 = arith.constant 0 : i32
      %dma_start3A_297 = tpu.memref_slice %arg4[%dma_start3A_295, %dma_start3A_296] : memref<100000x32xbf16, #tpu.memory_space<hbm>> -> memref<100000x32xbf16, #tpu.memory_space<hbm>>
      tpu.enqueue_indirect_dma source(%dma_start3A_297 : memref<100000x32xbf16, #tpu.memory_space<hbm>>) target(%arg12 : memref<128x32xbf16, #tpu.memory_space<vmem>>) offsets(%dma_start3A_294 : memref<128xi32, #tpu.memory_space<vmem>>) semaphore(%arg20 : memref<!tpu.dma_semaphore, #tpu.memory_space<semaphore_mem>>)
      %dma_wait3A_298 = arith.constant 7 : i32
      %dma_wait3A_299 = arith.constant 0 : i32
      %dma_wait3A_300 = tpu.memref_slice %arg8[%dma_wait3A_298, %dma_wait3A_299] : memref<8x128xi32, #tpu.memory_space<vmem>> -> memref<1x128xi32, #tpu.memory_space<vmem>>
      %dma_wait3A_301 = tpu.memref_squeeze %dma_wait3A_300 : memref<1x128xi32, #tpu.memory_space<vmem>> -> memref<128xi32, #tpu.memory_space<vmem>>
      %dma_wait3A_302 = arith.constant 0 : i32
      %dma_wait3A_303 = arith.constant 0 : i32
      %dma_wait3A_304 = tpu.memref_slice %arg4[%dma_wait3A_302, %dma_wait3A_303] : memref<100000x32xbf16, #tpu.memory_space<hbm>> -> memref<100000x32xbf16, #tpu.memory_space<hbm>>
      tpu.wait_indirect_dma semaphore(%arg21 : memref<!tpu.dma_semaphore, #tpu.memory_space<semaphore_mem>>) src(%dma_wait3A_304 : memref<100000x32xbf16, #tpu.memory_space<hbm>>) dst(%arg13 : memref<128x32xbf16, #tpu.memory_space<vmem>>)
      %dma_start3A_305 = arith.constant 7 : i32
      %dma_start3A_306 = arith.constant 0 : i32
      %dma_start3A_307 = tpu.memref_slice %arg10[%dma_start3A_305, %dma_start3A_306] : memref<8x128xi32, #tpu.memory_space<vmem>> -> memref<1x128xi32, #tpu.memory_space<vmem>>
      %dma_start3A_308 = tpu.memref_squeeze %dma_start3A_307 : memref<1x128xi32, #tpu.memory_space<vmem>> -> memref<128xi32, #tpu.memory_space<vmem>>
      %dma_start3A_309 = arith.constant 0 : i32
      %dma_start3A_310 = arith.constant 0 : i32
      %dma_start3A_311 = tpu.memref_slice %arg32[%dma_start3A_309, %dma_start3A_310] : memref<50048x32xbf16, #tpu.memory_space<vmem_shared>> -> memref<50048x32xbf16, #tpu.memory_space<vmem_shared>>
      tpu.enqueue_indirect_dma source(%arg13 : memref<128x32xbf16, #tpu.memory_space<vmem>>) target(%dma_start3A_311 : memref<50048x32xbf16, #tpu.memory_space<vmem_shared>>) offsets(%dma_start3A_308 : memref<128xi32, #tpu.memory_space<vmem>>) semaphore(%arg27 : memref<!tpu.dma_semaphore, #tpu.memory_space<semaphore_mem>>) {add = true}
      %dma_wait3A_312 = arith.constant 7 : i32
      %dma_wait3A_313 = arith.constant 0 : i32
      %dma_wait3A_314 = tpu.memref_slice %arg10[%dma_wait3A_312, %dma_wait3A_313] : memref<8x128xi32, #tpu.memory_space<vmem>> -> memref<1x128xi32, #tpu.memory_space<vmem>>
      %dma_wait3A_315 = tpu.memref_squeeze %dma_wait3A_314 : memref<1x128xi32, #tpu.memory_space<vmem>> -> memref<128xi32, #tpu.memory_space<vmem>>
      %dma_wait3A_316 = arith.constant 0 : i32
      %dma_wait3A_317 = arith.constant 0 : i32
      %dma_wait3A_318 = tpu.memref_slice %arg32[%dma_wait3A_316, %dma_wait3A_317] : memref<50048x32xbf16, #tpu.memory_space<vmem_shared>> -> memref<50048x32xbf16, #tpu.memory_space<vmem_shared>>
      tpu.wait_indirect_dma semaphore(%arg27 : memref<!tpu.dma_semaphore, #tpu.memory_space<semaphore_mem>>) src(%arg13 : memref<128x32xbf16, #tpu.memory_space<vmem>>) dst(%dma_wait3A_318 : memref<50048x32xbf16, #tpu.memory_space<vmem_shared>>)
      %dma_start3A_319 = arith.constant 5 : i32
      %dma_start3A_320 = arith.constant 0 : i32
      %dma_start3A_321 = tpu.memref_slice %arg9[%dma_start3A_319, %dma_start3A_320] : memref<8x128xi32, #tpu.memory_space<vmem>> -> memref<1x128xi32, #tpu.memory_space<vmem>>
      %dma_start3A_322 = tpu.memref_squeeze %dma_start3A_321 : memref<1x128xi32, #tpu.memory_space<vmem>> -> memref<128xi32, #tpu.memory_space<vmem>>
      %dma_start3A_323 = arith.constant 0 : i32
      %dma_start3A_324 = arith.constant 0 : i32
      %dma_start3A_325 = tpu.memref_slice %arg4[%dma_start3A_323, %dma_start3A_324] : memref<100000x32xbf16, #tpu.memory_space<hbm>> -> memref<100000x32xbf16, #tpu.memory_space<hbm>>
      tpu.enqueue_indirect_dma source(%dma_start3A_325 : memref<100000x32xbf16, #tpu.memory_space<hbm>>) target(%arg13 : memref<128x32xbf16, #tpu.memory_space<vmem>>) offsets(%dma_start3A_322 : memref<128xi32, #tpu.memory_space<vmem>>) semaphore(%arg21 : memref<!tpu.dma_semaphore, #tpu.memory_space<semaphore_mem>>)
      %dma_wait3A_326 = arith.constant 0 : i32
      %dma_wait3A_327 = arith.constant 0 : i32
      %dma_wait3A_328 = tpu.memref_slice %arg9[%dma_wait3A_326, %dma_wait3A_327] : memref<8x128xi32, #tpu.memory_space<vmem>> -> memref<1x128xi32, #tpu.memory_space<vmem>>
      %dma_wait3A_329 = tpu.memref_squeeze %dma_wait3A_328 : memref<1x128xi32, #tpu.memory_space<vmem>> -> memref<128xi32, #tpu.memory_space<vmem>>
      %dma_wait3A_330 = arith.constant 0 : i32
      %dma_wait3A_331 = arith.constant 0 : i32
      %dma_wait3A_332 = tpu.memref_slice %arg4[%dma_wait3A_330, %dma_wait3A_331] : memref<100000x32xbf16, #tpu.memory_space<hbm>> -> memref<100000x32xbf16, #tpu.memory_space<hbm>>
      tpu.wait_indirect_dma semaphore(%arg22 : memref<!tpu.dma_semaphore, #tpu.memory_space<semaphore_mem>>) src(%dma_wait3A_332 : memref<100000x32xbf16, #tpu.memory_space<hbm>>) dst(%arg14 : memref<128x32xbf16, #tpu.memory_space<vmem>>)
      %dma_start3A_333 = arith.constant 0 : i32
      %dma_start3A_334 = arith.constant 0 : i32
      %dma_start3A_335 = tpu.memref_slice %arg11[%dma_start3A_333, %dma_start3A_334] : memref<8x128xi32, #tpu.memory_space<vmem>> -> memref<1x128xi32, #tpu.memory_space<vmem>>
      %dma_start3A_336 = tpu.memref_squeeze %dma_start3A_335 : memref<1x128xi32, #tpu.memory_space<vmem>> -> memref<128xi32, #tpu.memory_space<vmem>>
      %dma_start3A_337 = arith.constant 0 : i32
      %dma_start3A_338 = arith.constant 0 : i32
      %dma_start3A_339 = tpu.memref_slice %arg32[%dma_start3A_337, %dma_start3A_338] : memref<50048x32xbf16, #tpu.memory_space<vmem_shared>> -> memref<50048x32xbf16, #tpu.memory_space<vmem_shared>>
      tpu.enqueue_indirect_dma source(%arg14 : memref<128x32xbf16, #tpu.memory_space<vmem>>) target(%dma_start3A_339 : memref<50048x32xbf16, #tpu.memory_space<vmem_shared>>) offsets(%dma_start3A_336 : memref<128xi32, #tpu.memory_space<vmem>>) semaphore(%arg28 : memref<!tpu.dma_semaphore, #tpu.memory_space<semaphore_mem>>) {add = true}
      %lt3A = arith.constant 24 : i32
      %lt3A_340 = arith.cmpi slt, %scan3A_44, %lt3A : i32
      %convert_element_type3A_341 = arith.extui %lt3A_340 : i1 to i32
      %cond3A_342 = arith.constant 0 : i32
      %cond3A_343 = arith.cmpi ne, %convert_element_type3A_341, %cond3A_342 : i32
      scf.if %cond3A_343 {
        %mul3A_517 = arith.constant 2 : i32
        %mul3A_518 = arith.muli %mul3A_517, %scan3A_44 : i32
        %add3A_519 = arith.constant 2 : i32
        %add3A_520 = arith.addi %mul3A_518, %add3A_519 : i32
        %mul3A_521 = arith.constant 8 : i32
        %mul3A_522 = arith.muli %add3A_520, %mul3A_521 : i32
        %mul3A_523 = arith.constant 6400 : i32
        %mul3A_524 = arith.muli %arg0, %mul3A_523 : i32
        %add3A_525 = arith.addi %mul3A_524, %mul3A_2 : i32
        %add3A_526 = arith.addi %add3A_525, %mul3A_522 : i32
        %dma_start3A_527 = arith.constant 0 : i32
        %dma_start3A_528 = tpu.memref_slice %arg2[%add3A_526, %dma_start3A_527] : memref<12800x128xi32, #tpu.memory_space<hbm>> -> memref<8x128xi32, #tpu.memory_space<hbm>>
        %dma_start3A_529 = arith.constant 0 : i32
        %dma_start3A_530 = tpu.memref_slice %arg2[%add3A_526, %dma_start3A_529] : memref<12800x128xi32, #tpu.memory_space<hbm>> -> memref<8x128xi32, #tpu.memory_space<hbm>>
        tpu.enqueue_dma source(%dma_start3A_530 : memref<8x128xi32, #tpu.memory_space<hbm>>) target(%arg8 : memref<8x128xi32, #tpu.memory_space<vmem>>) target_semaphore(%arg18 : memref<!tpu.dma_semaphore, #tpu.memory_space<semaphore_mem>>)
        %add3A_531 = arith.addi %mul3A_2, %mul3A_522 : i32
        %dma_start3A_532 = arith.constant 0 : i32
        %dma_start3A_533 = tpu.memref_slice %arg3[%add3A_531, %dma_start3A_532] : memref<6400x128xi32, #tpu.memory_space<hbm>> -> memref<8x128xi32, #tpu.memory_space<hbm>>
        %dma_start3A_534 = arith.constant 0 : i32
        %dma_start3A_535 = tpu.memref_slice %arg3[%add3A_531, %dma_start3A_534] : memref<6400x128xi32, #tpu.memory_space<hbm>> -> memref<8x128xi32, #tpu.memory_space<hbm>>
        tpu.enqueue_dma source(%dma_start3A_535 : memref<8x128xi32, #tpu.memory_space<hbm>>) target(%arg10 : memref<8x128xi32, #tpu.memory_space<vmem>>) target_semaphore(%arg18 : memref<!tpu.dma_semaphore, #tpu.memory_space<semaphore_mem>>)
      } else {
      }
      %dma_wait3A_344 = arith.constant 0 : i32
      %dma_wait3A_345 = arith.constant 0 : i32
      %dma_wait3A_346 = tpu.memref_slice %arg11[%dma_wait3A_344, %dma_wait3A_345] : memref<8x128xi32, #tpu.memory_space<vmem>> -> memref<1x128xi32, #tpu.memory_space<vmem>>
      %dma_wait3A_347 = tpu.memref_squeeze %dma_wait3A_346 : memref<1x128xi32, #tpu.memory_space<vmem>> -> memref<128xi32, #tpu.memory_space<vmem>>
      %dma_wait3A_348 = arith.constant 0 : i32
      %dma_wait3A_349 = arith.constant 0 : i32
      %dma_wait3A_350 = tpu.memref_slice %arg32[%dma_wait3A_348, %dma_wait3A_349] : memref<50048x32xbf16, #tpu.memory_space<vmem_shared>> -> memref<50048x32xbf16, #tpu.memory_space<vmem_shared>>
      tpu.wait_indirect_dma semaphore(%arg28 : memref<!tpu.dma_semaphore, #tpu.memory_space<semaphore_mem>>) src(%arg14 : memref<128x32xbf16, #tpu.memory_space<vmem>>) dst(%dma_wait3A_350 : memref<50048x32xbf16, #tpu.memory_space<vmem_shared>>)
      %dma_start3A_351 = arith.constant 6 : i32
      %dma_start3A_352 = arith.constant 0 : i32
      %dma_start3A_353 = tpu.memref_slice %arg9[%dma_start3A_351, %dma_start3A_352] : memref<8x128xi32, #tpu.memory_space<vmem>> -> memref<1x128xi32, #tpu.memory_space<vmem>>
      %dma_start3A_354 = tpu.memref_squeeze %dma_start3A_353 : memref<1x128xi32, #tpu.memory_space<vmem>> -> memref<128xi32, #tpu.memory_space<vmem>>
      %dma_start3A_355 = arith.constant 0 : i32
      %dma_start3A_356 = arith.constant 0 : i32
      %dma_start3A_357 = tpu.memref_slice %arg4[%dma_start3A_355, %dma_start3A_356] : memref<100000x32xbf16, #tpu.memory_space<hbm>> -> memref<100000x32xbf16, #tpu.memory_space<hbm>>
      tpu.enqueue_indirect_dma source(%dma_start3A_357 : memref<100000x32xbf16, #tpu.memory_space<hbm>>) target(%arg14 : memref<128x32xbf16, #tpu.memory_space<vmem>>) offsets(%dma_start3A_354 : memref<128xi32, #tpu.memory_space<vmem>>) semaphore(%arg22 : memref<!tpu.dma_semaphore, #tpu.memory_space<semaphore_mem>>)
      %dma_wait3A_358 = arith.constant 1 : i32
      %dma_wait3A_359 = arith.constant 0 : i32
      %dma_wait3A_360 = tpu.memref_slice %arg9[%dma_wait3A_358, %dma_wait3A_359] : memref<8x128xi32, #tpu.memory_space<vmem>> -> memref<1x128xi32, #tpu.memory_space<vmem>>
      %dma_wait3A_361 = tpu.memref_squeeze %dma_wait3A_360 : memref<1x128xi32, #tpu.memory_space<vmem>> -> memref<128xi32, #tpu.memory_space<vmem>>
      %dma_wait3A_362 = arith.constant 0 : i32
      %dma_wait3A_363 = arith.constant 0 : i32
      %dma_wait3A_364 = tpu.memref_slice %arg4[%dma_wait3A_362, %dma_wait3A_363] : memref<100000x32xbf16, #tpu.memory_space<hbm>> -> memref<100000x32xbf16, #tpu.memory_space<hbm>>
      tpu.wait_indirect_dma semaphore(%arg23 : memref<!tpu.dma_semaphore, #tpu.memory_space<semaphore_mem>>) src(%dma_wait3A_364 : memref<100000x32xbf16, #tpu.memory_space<hbm>>) dst(%arg15 : memref<128x32xbf16, #tpu.memory_space<vmem>>)
      %dma_start3A_365 = arith.constant 1 : i32
      %dma_start3A_366 = arith.constant 0 : i32
      %dma_start3A_367 = tpu.memref_slice %arg11[%dma_start3A_365, %dma_start3A_366] : memref<8x128xi32, #tpu.memory_space<vmem>> -> memref<1x128xi32, #tpu.memory_space<vmem>>
      %dma_start3A_368 = tpu.memref_squeeze %dma_start3A_367 : memref<1x128xi32, #tpu.memory_space<vmem>> -> memref<128xi32, #tpu.memory_space<vmem>>
      %dma_start3A_369 = arith.constant 0 : i32
      %dma_start3A_370 = arith.constant 0 : i32
      %dma_start3A_371 = tpu.memref_slice %arg32[%dma_start3A_369, %dma_start3A_370] : memref<50048x32xbf16, #tpu.memory_space<vmem_shared>> -> memref<50048x32xbf16, #tpu.memory_space<vmem_shared>>
      tpu.enqueue_indirect_dma source(%arg15 : memref<128x32xbf16, #tpu.memory_space<vmem>>) target(%dma_start3A_371 : memref<50048x32xbf16, #tpu.memory_space<vmem_shared>>) offsets(%dma_start3A_368 : memref<128xi32, #tpu.memory_space<vmem>>) semaphore(%arg29 : memref<!tpu.dma_semaphore, #tpu.memory_space<semaphore_mem>>) {add = true}
      %dma_wait3A_372 = arith.constant 1 : i32
      %dma_wait3A_373 = arith.constant 0 : i32
      %dma_wait3A_374 = tpu.memref_slice %arg11[%dma_wait3A_372, %dma_wait3A_373] : memref<8x128xi32, #tpu.memory_space<vmem>> -> memref<1x128xi32, #tpu.memory_space<vmem>>
      %dma_wait3A_375 = tpu.memref_squeeze %dma_wait3A_374 : memref<1x128xi32, #tpu.memory_space<vmem>> -> memref<128xi32, #tpu.memory_space<vmem>>
      %dma_wait3A_376 = arith.constant 0 : i32
      %dma_wait3A_377 = arith.constant 0 : i32
      %dma_wait3A_378 = tpu.memref_slice %arg32[%dma_wait3A_376, %dma_wait3A_377] : memref<50048x32xbf16, #tpu.memory_space<vmem_shared>> -> memref<50048x32xbf16, #tpu.memory_space<vmem_shared>>
      tpu.wait_indirect_dma semaphore(%arg29 : memref<!tpu.dma_semaphore, #tpu.memory_space<semaphore_mem>>) src(%arg15 : memref<128x32xbf16, #tpu.memory_space<vmem>>) dst(%dma_wait3A_378 : memref<50048x32xbf16, #tpu.memory_space<vmem_shared>>)
      %dma_start3A_379 = arith.constant 7 : i32
      %dma_start3A_380 = arith.constant 0 : i32
      %dma_start3A_381 = tpu.memref_slice %arg9[%dma_start3A_379, %dma_start3A_380] : memref<8x128xi32, #tpu.memory_space<vmem>> -> memref<1x128xi32, #tpu.memory_space<vmem>>
      %dma_start3A_382 = tpu.memref_squeeze %dma_start3A_381 : memref<1x128xi32, #tpu.memory_space<vmem>> -> memref<128xi32, #tpu.memory_space<vmem>>
      %dma_start3A_383 = arith.constant 0 : i32
      %dma_start3A_384 = arith.constant 0 : i32
      %dma_start3A_385 = tpu.memref_slice %arg4[%dma_start3A_383, %dma_start3A_384] : memref<100000x32xbf16, #tpu.memory_space<hbm>> -> memref<100000x32xbf16, #tpu.memory_space<hbm>>
      tpu.enqueue_indirect_dma source(%dma_start3A_385 : memref<100000x32xbf16, #tpu.memory_space<hbm>>) target(%arg15 : memref<128x32xbf16, #tpu.memory_space<vmem>>) offsets(%dma_start3A_382 : memref<128xi32, #tpu.memory_space<vmem>>) semaphore(%arg23 : memref<!tpu.dma_semaphore, #tpu.memory_space<semaphore_mem>>)
      %dma_wait3A_386 = arith.constant 2 : i32
      %dma_wait3A_387 = arith.constant 0 : i32
      %dma_wait3A_388 = tpu.memref_slice %arg9[%dma_wait3A_386, %dma_wait3A_387] : memref<8x128xi32, #tpu.memory_space<vmem>> -> memref<1x128xi32, #tpu.memory_space<vmem>>
      %dma_wait3A_389 = tpu.memref_squeeze %dma_wait3A_388 : memref<1x128xi32, #tpu.memory_space<vmem>> -> memref<128xi32, #tpu.memory_space<vmem>>
      %dma_wait3A_390 = arith.constant 0 : i32
      %dma_wait3A_391 = arith.constant 0 : i32
      %dma_wait3A_392 = tpu.memref_slice %arg4[%dma_wait3A_390, %dma_wait3A_391] : memref<100000x32xbf16, #tpu.memory_space<hbm>> -> memref<100000x32xbf16, #tpu.memory_space<hbm>>
      tpu.wait_indirect_dma semaphore(%arg24 : memref<!tpu.dma_semaphore, #tpu.memory_space<semaphore_mem>>) src(%dma_wait3A_392 : memref<100000x32xbf16, #tpu.memory_space<hbm>>) dst(%arg16 : memref<128x32xbf16, #tpu.memory_space<vmem>>)
      %dma_start3A_393 = arith.constant 2 : i32
      %dma_start3A_394 = arith.constant 0 : i32
      %dma_start3A_395 = tpu.memref_slice %arg11[%dma_start3A_393, %dma_start3A_394] : memref<8x128xi32, #tpu.memory_space<vmem>> -> memref<1x128xi32, #tpu.memory_space<vmem>>
      %dma_start3A_396 = tpu.memref_squeeze %dma_start3A_395 : memref<1x128xi32, #tpu.memory_space<vmem>> -> memref<128xi32, #tpu.memory_space<vmem>>
      %dma_start3A_397 = arith.constant 0 : i32
      %dma_start3A_398 = arith.constant 0 : i32
      %dma_start3A_399 = tpu.memref_slice %arg32[%dma_start3A_397, %dma_start3A_398] : memref<50048x32xbf16, #tpu.memory_space<vmem_shared>> -> memref<50048x32xbf16, #tpu.memory_space<vmem_shared>>
      tpu.enqueue_indirect_dma source(%arg16 : memref<128x32xbf16, #tpu.memory_space<vmem>>) target(%dma_start3A_399 : memref<50048x32xbf16, #tpu.memory_space<vmem_shared>>) offsets(%dma_start3A_396 : memref<128xi32, #tpu.memory_space<vmem>>) semaphore(%arg30 : memref<!tpu.dma_semaphore, #tpu.memory_space<semaphore_mem>>) {add = true}
      %dma_wait3A_400 = arith.constant 3 : i32
      %dma_wait3A_401 = arith.constant 0 : i32
      %dma_wait3A_402 = tpu.memref_slice %arg9[%dma_wait3A_400, %dma_wait3A_401] : memref<8x128xi32, #tpu.memory_space<vmem>> -> memref<1x128xi32, #tpu.memory_space<vmem>>
      %dma_wait3A_403 = tpu.memref_squeeze %dma_wait3A_402 : memref<1x128xi32, #tpu.memory_space<vmem>> -> memref<128xi32, #tpu.memory_space<vmem>>
      %dma_wait3A_404 = arith.constant 0 : i32
      %dma_wait3A_405 = arith.constant 0 : i32
      %dma_wait3A_406 = tpu.memref_slice %arg4[%dma_wait3A_404, %dma_wait3A_405] : memref<100000x32xbf16, #tpu.memory_space<hbm>> -> memref<100000x32xbf16, #tpu.memory_space<hbm>>
      tpu.wait_indirect_dma semaphore(%arg25 : memref<!tpu.dma_semaphore, #tpu.memory_space<semaphore_mem>>) src(%dma_wait3A_406 : memref<100000x32xbf16, #tpu.memory_space<hbm>>) dst(%arg17 : memref<128x32xbf16, #tpu.memory_space<vmem>>)
      %dma_start3A_407 = arith.constant 3 : i32
      %dma_start3A_408 = arith.constant 0 : i32
      %dma_start3A_409 = tpu.memref_slice %arg11[%dma_start3A_407, %dma_start3A_408] : memref<8x128xi32, #tpu.memory_space<vmem>> -> memref<1x128xi32, #tpu.memory_space<vmem>>
      %dma_start3A_410 = tpu.memref_squeeze %dma_start3A_409 : memref<1x128xi32, #tpu.memory_space<vmem>> -> memref<128xi32, #tpu.memory_space<vmem>>
      %dma_start3A_411 = arith.constant 0 : i32
      %dma_start3A_412 = arith.constant 0 : i32
      %dma_start3A_413 = tpu.memref_slice %arg32[%dma_start3A_411, %dma_start3A_412] : memref<50048x32xbf16, #tpu.memory_space<vmem_shared>> -> memref<50048x32xbf16, #tpu.memory_space<vmem_shared>>
      tpu.enqueue_indirect_dma source(%arg17 : memref<128x32xbf16, #tpu.memory_space<vmem>>) target(%dma_start3A_413 : memref<50048x32xbf16, #tpu.memory_space<vmem_shared>>) offsets(%dma_start3A_410 : memref<128xi32, #tpu.memory_space<vmem>>) semaphore(%arg31 : memref<!tpu.dma_semaphore, #tpu.memory_space<semaphore_mem>>) {add = true}
      %dma_wait3A_414 = arith.constant 4 : i32
      %dma_wait3A_415 = arith.constant 0 : i32
      %dma_wait3A_416 = tpu.memref_slice %arg9[%dma_wait3A_414, %dma_wait3A_415] : memref<8x128xi32, #tpu.memory_space<vmem>> -> memref<1x128xi32, #tpu.memory_space<vmem>>
      %dma_wait3A_417 = tpu.memref_squeeze %dma_wait3A_416 : memref<1x128xi32, #tpu.memory_space<vmem>> -> memref<128xi32, #tpu.memory_space<vmem>>
      %dma_wait3A_418 = arith.constant 0 : i32
      %dma_wait3A_419 = arith.constant 0 : i32
      %dma_wait3A_420 = tpu.memref_slice %arg4[%dma_wait3A_418, %dma_wait3A_419] : memref<100000x32xbf16, #tpu.memory_space<hbm>> -> memref<100000x32xbf16, #tpu.memory_space<hbm>>
      tpu.wait_indirect_dma semaphore(%arg20 : memref<!tpu.dma_semaphore, #tpu.memory_space<semaphore_mem>>) src(%dma_wait3A_420 : memref<100000x32xbf16, #tpu.memory_space<hbm>>) dst(%arg12 : memref<128x32xbf16, #tpu.memory_space<vmem>>)
      %dma_start3A_421 = arith.constant 4 : i32
      %dma_start3A_422 = arith.constant 0 : i32
      %dma_start3A_423 = tpu.memref_slice %arg11[%dma_start3A_421, %dma_start3A_422] : memref<8x128xi32, #tpu.memory_space<vmem>> -> memref<1x128xi32, #tpu.memory_space<vmem>>
      %dma_start3A_424 = tpu.memref_squeeze %dma_start3A_423 : memref<1x128xi32, #tpu.memory_space<vmem>> -> memref<128xi32, #tpu.memory_space<vmem>>
      %dma_start3A_425 = arith.constant 0 : i32
      %dma_start3A_426 = arith.constant 0 : i32
      %dma_start3A_427 = tpu.memref_slice %arg32[%dma_start3A_425, %dma_start3A_426] : memref<50048x32xbf16, #tpu.memory_space<vmem_shared>> -> memref<50048x32xbf16, #tpu.memory_space<vmem_shared>>
      tpu.enqueue_indirect_dma source(%arg12 : memref<128x32xbf16, #tpu.memory_space<vmem>>) target(%dma_start3A_427 : memref<50048x32xbf16, #tpu.memory_space<vmem_shared>>) offsets(%dma_start3A_424 : memref<128xi32, #tpu.memory_space<vmem>>) semaphore(%arg26 : memref<!tpu.dma_semaphore, #tpu.memory_space<semaphore_mem>>) {add = true}
      %dma_wait3A_428 = arith.constant 5 : i32
      %dma_wait3A_429 = arith.constant 0 : i32
      %dma_wait3A_430 = tpu.memref_slice %arg9[%dma_wait3A_428, %dma_wait3A_429] : memref<8x128xi32, #tpu.memory_space<vmem>> -> memref<1x128xi32, #tpu.memory_space<vmem>>
      %dma_wait3A_431 = tpu.memref_squeeze %dma_wait3A_430 : memref<1x128xi32, #tpu.memory_space<vmem>> -> memref<128xi32, #tpu.memory_space<vmem>>
      %dma_wait3A_432 = arith.constant 0 : i32
      %dma_wait3A_433 = arith.constant 0 : i32
      %dma_wait3A_434 = tpu.memref_slice %arg4[%dma_wait3A_432, %dma_wait3A_433] : memref<100000x32xbf16, #tpu.memory_space<hbm>> -> memref<100000x32xbf16, #tpu.memory_space<hbm>>
      tpu.wait_indirect_dma semaphore(%arg21 : memref<!tpu.dma_semaphore, #tpu.memory_space<semaphore_mem>>) src(%dma_wait3A_434 : memref<100000x32xbf16, #tpu.memory_space<hbm>>) dst(%arg13 : memref<128x32xbf16, #tpu.memory_space<vmem>>)
      %dma_start3A_435 = arith.constant 5 : i32
      %dma_start3A_436 = arith.constant 0 : i32
      %dma_start3A_437 = tpu.memref_slice %arg11[%dma_start3A_435, %dma_start3A_436] : memref<8x128xi32, #tpu.memory_space<vmem>> -> memref<1x128xi32, #tpu.memory_space<vmem>>
      %dma_start3A_438 = tpu.memref_squeeze %dma_start3A_437 : memref<1x128xi32, #tpu.memory_space<vmem>> -> memref<128xi32, #tpu.memory_space<vmem>>
      %dma_start3A_439 = arith.constant 0 : i32
      %dma_start3A_440 = arith.constant 0 : i32
      %dma_start3A_441 = tpu.memref_slice %arg32[%dma_start3A_439, %dma_start3A_440] : memref<50048x32xbf16, #tpu.memory_space<vmem_shared>> -> memref<50048x32xbf16, #tpu.memory_space<vmem_shared>>
      tpu.enqueue_indirect_dma source(%arg13 : memref<128x32xbf16, #tpu.memory_space<vmem>>) target(%dma_start3A_441 : memref<50048x32xbf16, #tpu.memory_space<vmem_shared>>) offsets(%dma_start3A_438 : memref<128xi32, #tpu.memory_space<vmem>>) semaphore(%arg27 : memref<!tpu.dma_semaphore, #tpu.memory_space<semaphore_mem>>) {add = true}
      %dma_wait3A_442 = arith.constant 6 : i32
      %dma_wait3A_443 = arith.constant 0 : i32
      %dma_wait3A_444 = tpu.memref_slice %arg9[%dma_wait3A_442, %dma_wait3A_443] : memref<8x128xi32, #tpu.memory_space<vmem>> -> memref<1x128xi32, #tpu.memory_space<vmem>>
      %dma_wait3A_445 = tpu.memref_squeeze %dma_wait3A_444 : memref<1x128xi32, #tpu.memory_space<vmem>> -> memref<128xi32, #tpu.memory_space<vmem>>
      %dma_wait3A_446 = arith.constant 0 : i32
      %dma_wait3A_447 = arith.constant 0 : i32
      %dma_wait3A_448 = tpu.memref_slice %arg4[%dma_wait3A_446, %dma_wait3A_447] : memref<100000x32xbf16, #tpu.memory_space<hbm>> -> memref<100000x32xbf16, #tpu.memory_space<hbm>>
      tpu.wait_indirect_dma semaphore(%arg22 : memref<!tpu.dma_semaphore, #tpu.memory_space<semaphore_mem>>) src(%dma_wait3A_448 : memref<100000x32xbf16, #tpu.memory_space<hbm>>) dst(%arg14 : memref<128x32xbf16, #tpu.memory_space<vmem>>)
      %dma_start3A_449 = arith.constant 6 : i32
      %dma_start3A_450 = arith.constant 0 : i32
      %dma_start3A_451 = tpu.memref_slice %arg11[%dma_start3A_449, %dma_start3A_450] : memref<8x128xi32, #tpu.memory_space<vmem>> -> memref<1x128xi32, #tpu.memory_space<vmem>>
      %dma_start3A_452 = tpu.memref_squeeze %dma_start3A_451 : memref<1x128xi32, #tpu.memory_space<vmem>> -> memref<128xi32, #tpu.memory_space<vmem>>
      %dma_start3A_453 = arith.constant 0 : i32
      %dma_start3A_454 = arith.constant 0 : i32
      %dma_start3A_455 = tpu.memref_slice %arg32[%dma_start3A_453, %dma_start3A_454] : memref<50048x32xbf16, #tpu.memory_space<vmem_shared>> -> memref<50048x32xbf16, #tpu.memory_space<vmem_shared>>
      tpu.enqueue_indirect_dma source(%arg14 : memref<128x32xbf16, #tpu.memory_space<vmem>>) target(%dma_start3A_455 : memref<50048x32xbf16, #tpu.memory_space<vmem_shared>>) offsets(%dma_start3A_452 : memref<128xi32, #tpu.memory_space<vmem>>) semaphore(%arg28 : memref<!tpu.dma_semaphore, #tpu.memory_space<semaphore_mem>>) {add = true}
      %dma_wait3A_456 = arith.constant 7 : i32
      %dma_wait3A_457 = arith.constant 0 : i32
      %dma_wait3A_458 = tpu.memref_slice %arg9[%dma_wait3A_456, %dma_wait3A_457] : memref<8x128xi32, #tpu.memory_space<vmem>> -> memref<1x128xi32, #tpu.memory_space<vmem>>
      %dma_wait3A_459 = tpu.memref_squeeze %dma_wait3A_458 : memref<1x128xi32, #tpu.memory_space<vmem>> -> memref<128xi32, #tpu.memory_space<vmem>>
      %dma_wait3A_460 = arith.constant 0 : i32
      %dma_wait3A_461 = arith.constant 0 : i32
      %dma_wait3A_462 = tpu.memref_slice %arg4[%dma_wait3A_460, %dma_wait3A_461] : memref<100000x32xbf16, #tpu.memory_space<hbm>> -> memref<100000x32xbf16, #tpu.memory_space<hbm>>
      tpu.wait_indirect_dma semaphore(%arg23 : memref<!tpu.dma_semaphore, #tpu.memory_space<semaphore_mem>>) src(%dma_wait3A_462 : memref<100000x32xbf16, #tpu.memory_space<hbm>>) dst(%arg15 : memref<128x32xbf16, #tpu.memory_space<vmem>>)
      %dma_start3A_463 = arith.constant 7 : i32
      %dma_start3A_464 = arith.constant 0 : i32
      %dma_start3A_465 = tpu.memref_slice %arg11[%dma_start3A_463, %dma_start3A_464] : memref<8x128xi32, #tpu.memory_space<vmem>> -> memref<1x128xi32, #tpu.memory_space<vmem>>
      %dma_start3A_466 = tpu.memref_squeeze %dma_start3A_465 : memref<1x128xi32, #tpu.memory_space<vmem>> -> memref<128xi32, #tpu.memory_space<vmem>>
      %dma_start3A_467 = arith.constant 0 : i32
      %dma_start3A_468 = arith.constant 0 : i32
      %dma_start3A_469 = tpu.memref_slice %arg32[%dma_start3A_467, %dma_start3A_468] : memref<50048x32xbf16, #tpu.memory_space<vmem_shared>> -> memref<50048x32xbf16, #tpu.memory_space<vmem_shared>>
      tpu.enqueue_indirect_dma source(%arg15 : memref<128x32xbf16, #tpu.memory_space<vmem>>) target(%dma_start3A_469 : memref<50048x32xbf16, #tpu.memory_space<vmem_shared>>) offsets(%dma_start3A_466 : memref<128xi32, #tpu.memory_space<vmem>>) semaphore(%arg29 : memref<!tpu.dma_semaphore, #tpu.memory_space<semaphore_mem>>) {add = true}
      %dma_wait3A_470 = arith.constant 4 : i32
      %dma_wait3A_471 = arith.constant 0 : i32
      %dma_wait3A_472 = tpu.memref_slice %arg11[%dma_wait3A_470, %dma_wait3A_471] : memref<8x128xi32, #tpu.memory_space<vmem>> -> memref<1x128xi32, #tpu.memory_space<vmem>>
      %dma_wait3A_473 = tpu.memref_squeeze %dma_wait3A_472 : memref<1x128xi32, #tpu.memory_space<vmem>> -> memref<128xi32, #tpu.memory_space<vmem>>
      %dma_wait3A_474 = arith.constant 0 : i32
      %dma_wait3A_475 = arith.constant 0 : i32
      %dma_wait3A_476 = tpu.memref_slice %arg32[%dma_wait3A_474, %dma_wait3A_475] : memref<50048x32xbf16, #tpu.memory_space<vmem_shared>> -> memref<50048x32xbf16, #tpu.memory_space<vmem_shared>>
      tpu.wait_indirect_dma semaphore(%arg26 : memref<!tpu.dma_semaphore, #tpu.memory_space<semaphore_mem>>) src(%arg12 : memref<128x32xbf16, #tpu.memory_space<vmem>>) dst(%dma_wait3A_476 : memref<50048x32xbf16, #tpu.memory_space<vmem_shared>>)
      %dma_wait3A_477 = arith.constant 5 : i32
      %dma_wait3A_478 = arith.constant 0 : i32
      %dma_wait3A_479 = tpu.memref_slice %arg11[%dma_wait3A_477, %dma_wait3A_478] : memref<8x128xi32, #tpu.memory_space<vmem>> -> memref<1x128xi32, #tpu.memory_space<vmem>>
      %dma_wait3A_480 = tpu.memref_squeeze %dma_wait3A_479 : memref<1x128xi32, #tpu.memory_space<vmem>> -> memref<128xi32, #tpu.memory_space<vmem>>
      %dma_wait3A_481 = arith.constant 0 : i32
      %dma_wait3A_482 = arith.constant 0 : i32
      %dma_wait3A_483 = tpu.memref_slice %arg32[%dma_wait3A_481, %dma_wait3A_482] : memref<50048x32xbf16, #tpu.memory_space<vmem_shared>> -> memref<50048x32xbf16, #tpu.memory_space<vmem_shared>>
      tpu.wait_indirect_dma semaphore(%arg27 : memref<!tpu.dma_semaphore, #tpu.memory_space<semaphore_mem>>) src(%arg13 : memref<128x32xbf16, #tpu.memory_space<vmem>>) dst(%dma_wait3A_483 : memref<50048x32xbf16, #tpu.memory_space<vmem_shared>>)
      %dma_wait3A_484 = arith.constant 6 : i32
      %dma_wait3A_485 = arith.constant 0 : i32
      %dma_wait3A_486 = tpu.memref_slice %arg11[%dma_wait3A_484, %dma_wait3A_485] : memref<8x128xi32, #tpu.memory_space<vmem>> -> memref<1x128xi32, #tpu.memory_space<vmem>>
      %dma_wait3A_487 = tpu.memref_squeeze %dma_wait3A_486 : memref<1x128xi32, #tpu.memory_space<vmem>> -> memref<128xi32, #tpu.memory_space<vmem>>
      %dma_wait3A_488 = arith.constant 0 : i32
      %dma_wait3A_489 = arith.constant 0 : i32
      %dma_wait3A_490 = tpu.memref_slice %arg32[%dma_wait3A_488, %dma_wait3A_489] : memref<50048x32xbf16, #tpu.memory_space<vmem_shared>> -> memref<50048x32xbf16, #tpu.memory_space<vmem_shared>>
      tpu.wait_indirect_dma semaphore(%arg28 : memref<!tpu.dma_semaphore, #tpu.memory_space<semaphore_mem>>) src(%arg14 : memref<128x32xbf16, #tpu.memory_space<vmem>>) dst(%dma_wait3A_490 : memref<50048x32xbf16, #tpu.memory_space<vmem_shared>>)
      %dma_wait3A_491 = arith.constant 7 : i32
      %dma_wait3A_492 = arith.constant 0 : i32
      %dma_wait3A_493 = tpu.memref_slice %arg11[%dma_wait3A_491, %dma_wait3A_492] : memref<8x128xi32, #tpu.memory_space<vmem>> -> memref<1x128xi32, #tpu.memory_space<vmem>>
      %dma_wait3A_494 = tpu.memref_squeeze %dma_wait3A_493 : memref<1x128xi32, #tpu.memory_space<vmem>> -> memref<128xi32, #tpu.memory_space<vmem>>
      %dma_wait3A_495 = arith.constant 0 : i32
      %dma_wait3A_496 = arith.constant 0 : i32
      %dma_wait3A_497 = tpu.memref_slice %arg32[%dma_wait3A_495, %dma_wait3A_496] : memref<50048x32xbf16, #tpu.memory_space<vmem_shared>> -> memref<50048x32xbf16, #tpu.memory_space<vmem_shared>>
      tpu.wait_indirect_dma semaphore(%arg29 : memref<!tpu.dma_semaphore, #tpu.memory_space<semaphore_mem>>) src(%arg15 : memref<128x32xbf16, #tpu.memory_space<vmem>>) dst(%dma_wait3A_497 : memref<50048x32xbf16, #tpu.memory_space<vmem_shared>>)
      %dma_wait3A_498 = arith.constant 2 : i32
      %dma_wait3A_499 = arith.constant 0 : i32
      %dma_wait3A_500 = tpu.memref_slice %arg11[%dma_wait3A_498, %dma_wait3A_499] : memref<8x128xi32, #tpu.memory_space<vmem>> -> memref<1x128xi32, #tpu.memory_space<vmem>>
      %dma_wait3A_501 = tpu.memref_squeeze %dma_wait3A_500 : memref<1x128xi32, #tpu.memory_space<vmem>> -> memref<128xi32, #tpu.memory_space<vmem>>
      %dma_wait3A_502 = arith.constant 0 : i32
      %dma_wait3A_503 = arith.constant 0 : i32
      %dma_wait3A_504 = tpu.memref_slice %arg32[%dma_wait3A_502, %dma_wait3A_503] : memref<50048x32xbf16, #tpu.memory_space<vmem_shared>> -> memref<50048x32xbf16, #tpu.memory_space<vmem_shared>>
      tpu.wait_indirect_dma semaphore(%arg30 : memref<!tpu.dma_semaphore, #tpu.memory_space<semaphore_mem>>) src(%arg16 : memref<128x32xbf16, #tpu.memory_space<vmem>>) dst(%dma_wait3A_504 : memref<50048x32xbf16, #tpu.memory_space<vmem_shared>>)
      %dma_wait3A_505 = arith.constant 3 : i32
      %dma_wait3A_506 = arith.constant 0 : i32
      %dma_wait3A_507 = tpu.memref_slice %arg11[%dma_wait3A_505, %dma_wait3A_506] : memref<8x128xi32, #tpu.memory_space<vmem>> -> memref<1x128xi32, #tpu.memory_space<vmem>>
      %dma_wait3A_508 = tpu.memref_squeeze %dma_wait3A_507 : memref<1x128xi32, #tpu.memory_space<vmem>> -> memref<128xi32, #tpu.memory_space<vmem>>
      %dma_wait3A_509 = arith.constant 0 : i32
      %dma_wait3A_510 = arith.constant 0 : i32
      %dma_wait3A_511 = tpu.memref_slice %arg32[%dma_wait3A_509, %dma_wait3A_510] : memref<50048x32xbf16, #tpu.memory_space<vmem_shared>> -> memref<50048x32xbf16, #tpu.memory_space<vmem_shared>>
      tpu.wait_indirect_dma semaphore(%arg31 : memref<!tpu.dma_semaphore, #tpu.memory_space<semaphore_mem>>) src(%arg17 : memref<128x32xbf16, #tpu.memory_space<vmem>>) dst(%dma_wait3A_511 : memref<50048x32xbf16, #tpu.memory_space<vmem_shared>>)
      %lt3A_512 = arith.constant 24 : i32
      %lt3A_513 = arith.cmpi slt, %scan3A_44, %lt3A_512 : i32
      %convert_element_type3A_514 = arith.extui %lt3A_513 : i1 to i32
      %cond3A_515 = arith.constant 0 : i32
      %cond3A_516 = arith.cmpi ne, %convert_element_type3A_514, %cond3A_515 : i32
      scf.if %cond3A_516 {
        %mul3A_517 = arith.constant 2 : i32
        %mul3A_518 = arith.muli %mul3A_517, %scan3A_44 : i32
        %add3A_519 = arith.constant 3 : i32
        %add3A_520 = arith.addi %mul3A_518, %add3A_519 : i32
        %mul3A_521 = arith.constant 8 : i32
        %mul3A_522 = arith.muli %add3A_520, %mul3A_521 : i32
        %mul3A_523 = arith.constant 6400 : i32
        %mul3A_524 = arith.muli %arg0, %mul3A_523 : i32
        %add3A_525 = arith.addi %mul3A_524, %mul3A_2 : i32
        %add3A_526 = arith.addi %add3A_525, %mul3A_522 : i32
        %dma_start3A_527 = arith.constant 0 : i32
        %dma_start3A_528 = tpu.memref_slice %arg2[%add3A_526, %dma_start3A_527] : memref<12800x128xi32, #tpu.memory_space<hbm>> -> memref<8x128xi32, #tpu.memory_space<hbm>>
        %dma_start3A_529 = arith.constant 0 : i32
        %dma_start3A_530 = tpu.memref_slice %arg2[%add3A_526, %dma_start3A_529] : memref<12800x128xi32, #tpu.memory_space<hbm>> -> memref<8x128xi32, #tpu.memory_space<hbm>>
        tpu.enqueue_dma source(%dma_start3A_530 : memref<8x128xi32, #tpu.memory_space<hbm>>) target(%arg9 : memref<8x128xi32, #tpu.memory_space<vmem>>) target_semaphore(%arg19 : memref<!tpu.dma_semaphore, #tpu.memory_space<semaphore_mem>>)
        %add3A_531 = arith.addi %mul3A_2, %mul3A_522 : i32
        %dma_start3A_532 = arith.constant 0 : i32
        %dma_start3A_533 = tpu.memref_slice %arg3[%add3A_531, %dma_start3A_532] : memref<6400x128xi32, #tpu.memory_space<hbm>> -> memref<8x128xi32, #tpu.memory_space<hbm>>
        %dma_start3A_534 = arith.constant 0 : i32
        %dma_start3A_535 = tpu.memref_slice %arg3[%add3A_531, %dma_start3A_534] : memref<6400x128xi32, #tpu.memory_space<hbm>> -> memref<8x128xi32, #tpu.memory_space<hbm>>
        tpu.enqueue_dma source(%dma_start3A_535 : memref<8x128xi32, #tpu.memory_space<hbm>>) target(%arg11 : memref<8x128xi32, #tpu.memory_space<vmem>>) target_semaphore(%arg19 : memref<!tpu.dma_semaphore, #tpu.memory_space<semaphore_mem>>)
      } else {
      }
    }
    %scan3A_35 = arith.constant 25 : i32
    %barrier3A_36 = arith.constant 0 : index
    tpu.barrier barrier_id(%barrier3A_36)
    %eq3A = arith.constant 0 : i32
    %eq3A_37 = arith.cmpi eq, %arg0, %eq3A : i32
    %convert_element_type3A = arith.extui %eq3A_37 : i1 to i32
    %cond3A = arith.constant 0 : i32
    %cond3A_38 = arith.cmpi ne, %convert_element_type3A, %cond3A : i32
    scf.if %cond3A_38 {
      "tpu.region"() ({
        %run_scoped3A = tpu.sem_alloc : memref<!tpu.dma_semaphore, #tpu.memory_space<semaphore_mem>>
        %dma_start3A_44 = arith.constant 0 : i32
        %dma_start3A_45 = tpu.memref_slice %arg6[%mul3A_0, %dma_start3A_44] : memref<50048x32xbf16, #tpu.memory_space<hbm>> -> memref<3128x32xbf16, #tpu.memory_space<hbm>>
        %dma_start3A_46 = arith.constant 0 : i32
        %dma_start3A_47 = tpu.memref_slice %arg32[%mul3A_0, %dma_start3A_46] : memref<50048x32xbf16, #tpu.memory_space<vmem_shared>> -> memref<3128x32xbf16, #tpu.memory_space<vmem_shared>>
        tpu.enqueue_dma source(%dma_start3A_47 : memref<3128x32xbf16, #tpu.memory_space<vmem_shared>>) target(%dma_start3A_45 : memref<3128x32xbf16, #tpu.memory_space<hbm>>) target_semaphore(%run_scoped3A : memref<!tpu.dma_semaphore, #tpu.memory_space<semaphore_mem>>)
        %dma_wait3A = arith.constant 0 : i32
        %dma_wait3A_48 = tpu.memref_slice %arg6[%mul3A_0, %dma_wait3A] : memref<50048x32xbf16, #tpu.memory_space<hbm>> -> memref<3128x32xbf16, #tpu.memory_space<hbm>>
        %dma_wait3A_49 = arith.constant 0 : i32
        %dma_wait3A_50 = tpu.memref_slice %arg32[%mul3A_0, %dma_wait3A_49] : memref<50048x32xbf16, #tpu.memory_space<vmem_shared>> -> memref<3128x32xbf16, #tpu.memory_space<vmem_shared>>
        tpu.wait_dma2 semaphore(%run_scoped3A : memref<!tpu.dma_semaphore, #tpu.memory_space<semaphore_mem>>) src(%dma_wait3A_50 : memref<3128x32xbf16, #tpu.memory_space<vmem_shared>>) dst(%dma_wait3A_48 : memref<3128x32xbf16, #tpu.memory_space<hbm>>)
        tpu.yield
      }) : () -> ()
    } else {
    }
    %eq3A_39 = arith.constant 1 : i32
    %eq3A_40 = arith.cmpi eq, %arg0, %eq3A_39 : i32
    %convert_element_type3A_41 = arith.extui %eq3A_40 : i1 to i32
    %cond3A_42 = arith.constant 0 : i32
    %cond3A_43 = arith.cmpi ne, %convert_element_type3A_41, %cond3A_42 : i32
    scf.if %cond3A_43 {
      "tpu.region"() ({
        %run_scoped3A = tpu.sem_alloc : memref<!tpu.dma_semaphore, #tpu.memory_space<semaphore_mem>>
        %dma_start3A_44 = arith.constant 0 : i32
        %dma_start3A_45 = tpu.memref_slice %arg7[%mul3A_0, %dma_start3A_44] : memref<50048x32xbf16, #tpu.memory_space<hbm>> -> memref<3128x32xbf16, #tpu.memory_space<hbm>>
        %dma_start3A_46 = arith.constant 0 : i32
        %dma_start3A_47 = tpu.memref_slice %arg32[%mul3A_0, %dma_start3A_46] : memref<50048x32xbf16, #tpu.memory_space<vmem_shared>> -> memref<3128x32xbf16, #tpu.memory_space<vmem_shared>>
        tpu.enqueue_dma source(%dma_start3A_47 : memref<3128x32xbf16, #tpu.memory_space<vmem_shared>>) target(%dma_start3A_45 : memref<3128x32xbf16, #tpu.memory_space<hbm>>) target_semaphore(%run_scoped3A : memref<!tpu.dma_semaphore, #tpu.memory_space<semaphore_mem>>)
        %dma_wait3A = arith.constant 0 : i32
        %dma_wait3A_48 = tpu.memref_slice %arg7[%mul3A_0, %dma_wait3A] : memref<50048x32xbf16, #tpu.memory_space<hbm>> -> memref<3128x32xbf16, #tpu.memory_space<hbm>>
        %dma_wait3A_49 = arith.constant 0 : i32
        %dma_wait3A_50 = tpu.memref_slice %arg32[%mul3A_0, %dma_wait3A_49] : memref<50048x32xbf16, #tpu.memory_space<vmem_shared>> -> memref<3128x32xbf16, #tpu.memory_space<vmem_shared>>
        tpu.wait_dma2 semaphore(%run_scoped3A : memref<!tpu.dma_semaphore, #tpu.memory_space<semaphore_mem>>) src(%dma_wait3A_50 : memref<3128x32xbf16, #tpu.memory_space<vmem_shared>>) dst(%dma_wait3A_48 : memref<3128x32xbf16, #tpu.memory_space<hbm>>)
        tpu.yield
      }) : () -> ()
    } else {
    }
    return
  }
}

#map = affine_map<(d0, d1) -> (0, 0)>
module attributes {stable_mosaic.version = 14 : i64} {
  func.func @_deg_kernel(%arg0: i32, %arg1: i32, %arg2: memref<6400x128xi32, #tpu.memory_space<hbm>>, %arg3: memref<128x8xf32, #tpu.memory_space<hbm>>, %arg4: memref<3128x8xf32, #tpu.memory_space<hbm>>, %arg5: memref<50048x8xf32, #tpu.memory_space<hbm>>, %arg6: memref<50048x8xf32, #tpu.memory_space<hbm>>, %arg7: memref<8x128xi32, #tpu.memory_space<vmem>>, %arg8: memref<128x8xf32, #tpu.memory_space<vmem>>, %arg9: memref<!tpu.dma_semaphore, #tpu.memory_space<semaphore_mem>>, %arg10: memref<50048x8xf32, #tpu.memory_space<vmem_shared>>) attributes {dimension_semantics = [#tpu.dimension_semantics<core_parallel>, #tpu.dimension_semantics<subcore_parallel>], iteration_bounds = array<i64: 2, 16>, scalar_prefetch = 0 : i64, scratch_operands = 4 : i64, tpu.core_type = #tpu.core_type<sc_vector_subcore>, window_params = [{transform_indices = #map}, {transform_indices = #map}, {transform_indices = #map}, {transform_indices = #map}, {transform_indices = #map}]} {
    %mul3A = arith.constant 16 : i32
    %mul3A_0 = arith.muli %arg0, %mul3A : i32
    %add3A = arith.addi %mul3A_0, %arg1 : i32
    %mul3A_1 = arith.constant 3128 : i32
    %mul3A_2 = arith.muli %arg1, %mul3A_1 : i32
    "tpu.region"() ({
      %run_scoped3A = tpu.sem_alloc : memref<!tpu.dma_semaphore, #tpu.memory_space<semaphore_mem>>
      tpu.enqueue_dma source(%arg3 : memref<128x8xf32, #tpu.memory_space<hbm>>) target(%arg8 : memref<128x8xf32, #tpu.memory_space<vmem>>) target_semaphore(%run_scoped3A : memref<!tpu.dma_semaphore, #tpu.memory_space<semaphore_mem>>)
      tpu.wait_dma2 semaphore(%run_scoped3A : memref<!tpu.dma_semaphore, #tpu.memory_space<semaphore_mem>>) src(%arg3 : memref<128x8xf32, #tpu.memory_space<hbm>>) dst(%arg8 : memref<128x8xf32, #tpu.memory_space<vmem>>)
      tpu.yield
    }) : () -> ()
    "tpu.region"() ({
      %run_scoped3A = tpu.sem_alloc : memref<!tpu.dma_semaphore, #tpu.memory_space<semaphore_mem>>
      %dma_start3A = arith.constant 0 : i32
      %dma_start3A_18 = tpu.memref_slice %arg10[%mul3A_2, %dma_start3A] : memref<50048x8xf32, #tpu.memory_space<vmem_shared>> -> memref<3128x8xf32, #tpu.memory_space<vmem_shared>>
      tpu.enqueue_dma source(%arg4 : memref<3128x8xf32, #tpu.memory_space<hbm>>) target(%dma_start3A_18 : memref<3128x8xf32, #tpu.memory_space<vmem_shared>>) target_semaphore(%run_scoped3A : memref<!tpu.dma_semaphore, #tpu.memory_space<semaphore_mem>>)
      %dma_wait3A = arith.constant 0 : i32
      %dma_wait3A_19 = tpu.memref_slice %arg10[%mul3A_2, %dma_wait3A] : memref<50048x8xf32, #tpu.memory_space<vmem_shared>> -> memref<3128x8xf32, #tpu.memory_space<vmem_shared>>
      tpu.wait_dma2 semaphore(%run_scoped3A : memref<!tpu.dma_semaphore, #tpu.memory_space<semaphore_mem>>) src(%arg4 : memref<3128x8xf32, #tpu.memory_space<hbm>>) dst(%dma_wait3A_19 : memref<3128x8xf32, #tpu.memory_space<vmem_shared>>)
      tpu.yield
    }) : () -> ()
    %barrier3A = arith.constant 0 : index
    tpu.barrier barrier_id(%barrier3A)
    %mul3A_3 = arith.constant 200 : i32
    %mul3A_4 = arith.muli %add3A, %mul3A_3 : i32
    %scan3A = arith.constant 0 : i32
    %scan3A_5 = arith.constant 0 : i32
    %scan3A_6 = arith.constant 25 : i32
    %scan3A_7 = arith.addi %scan3A_5, %scan3A_6 : i32
    %scan3A_8 = arith.constant 1 : i32
    scf.for %scan3A_18 = %scan3A_5 to %scan3A_7 step %scan3A_8  : i32 {
      %mul3A_19 = arith.constant 8 : i32
      %mul3A_20 = arith.muli %scan3A_18, %mul3A_19 : i32
      %add3A_21 = arith.addi %mul3A_4, %mul3A_20 : i32
      "tpu.region"() ({
        %run_scoped3A = tpu.sem_alloc : memref<!tpu.dma_semaphore, #tpu.memory_space<semaphore_mem>>
        %dma_start3A_132 = arith.constant 0 : i32
        %dma_start3A_133 = tpu.memref_slice %arg2[%add3A_21, %dma_start3A_132] : memref<6400x128xi32, #tpu.memory_space<hbm>> -> memref<8x128xi32, #tpu.memory_space<hbm>>
        %dma_start3A_134 = arith.constant 0 : i32
        %dma_start3A_135 = tpu.memref_slice %arg2[%add3A_21, %dma_start3A_134] : memref<6400x128xi32, #tpu.memory_space<hbm>> -> memref<8x128xi32, #tpu.memory_space<hbm>>
        tpu.enqueue_dma source(%dma_start3A_135 : memref<8x128xi32, #tpu.memory_space<hbm>>) target(%arg7 : memref<8x128xi32, #tpu.memory_space<vmem>>) target_semaphore(%run_scoped3A : memref<!tpu.dma_semaphore, #tpu.memory_space<semaphore_mem>>)
        %dma_wait3A_136 = arith.constant 0 : i32
        %dma_wait3A_137 = tpu.memref_slice %arg2[%add3A_21, %dma_wait3A_136] : memref<6400x128xi32, #tpu.memory_space<hbm>> -> memref<8x128xi32, #tpu.memory_space<hbm>>
        %dma_wait3A_138 = arith.constant 0 : i32
        %dma_wait3A_139 = tpu.memref_slice %arg2[%add3A_21, %dma_wait3A_138] : memref<6400x128xi32, #tpu.memory_space<hbm>> -> memref<8x128xi32, #tpu.memory_space<hbm>>
        tpu.wait_dma2 semaphore(%run_scoped3A : memref<!tpu.dma_semaphore, #tpu.memory_space<semaphore_mem>>) src(%dma_wait3A_139 : memref<8x128xi32, #tpu.memory_space<hbm>>) dst(%arg7 : memref<8x128xi32, #tpu.memory_space<vmem>>)
        tpu.yield
      }) : () -> ()
      %dma_start3A = arith.constant 0 : i32
      %dma_start3A_22 = arith.constant 0 : i32
      %dma_start3A_23 = tpu.memref_slice %arg7[%dma_start3A, %dma_start3A_22] : memref<8x128xi32, #tpu.memory_space<vmem>> -> memref<1x128xi32, #tpu.memory_space<vmem>>
      %dma_start3A_24 = tpu.memref_squeeze %dma_start3A_23 : memref<1x128xi32, #tpu.memory_space<vmem>> -> memref<128xi32, #tpu.memory_space<vmem>>
      %dma_start3A_25 = arith.constant 0 : i32
      %dma_start3A_26 = arith.constant 0 : i32
      %dma_start3A_27 = tpu.memref_slice %arg10[%dma_start3A_25, %dma_start3A_26] : memref<50048x8xf32, #tpu.memory_space<vmem_shared>> -> memref<50048x8xf32, #tpu.memory_space<vmem_shared>>
      tpu.enqueue_indirect_dma source(%arg8 : memref<128x8xf32, #tpu.memory_space<vmem>>) target(%dma_start3A_27 : memref<50048x8xf32, #tpu.memory_space<vmem_shared>>) offsets(%dma_start3A_24 : memref<128xi32, #tpu.memory_space<vmem>>) semaphore(%arg9 : memref<!tpu.dma_semaphore, #tpu.memory_space<semaphore_mem>>) {add = true}
      %dma_start3A_28 = arith.constant 1 : i32
      %dma_start3A_29 = arith.constant 0 : i32
      %dma_start3A_30 = tpu.memref_slice %arg7[%dma_start3A_28, %dma_start3A_29] : memref<8x128xi32, #tpu.memory_space<vmem>> -> memref<1x128xi32, #tpu.memory_space<vmem>>
      %dma_start3A_31 = tpu.memref_squeeze %dma_start3A_30 : memref<1x128xi32, #tpu.memory_space<vmem>> -> memref<128xi32, #tpu.memory_space<vmem>>
      %dma_start3A_32 = arith.constant 0 : i32
      %dma_start3A_33 = arith.constant 0 : i32
      %dma_start3A_34 = tpu.memref_slice %arg10[%dma_start3A_32, %dma_start3A_33] : memref<50048x8xf32, #tpu.memory_space<vmem_shared>> -> memref<50048x8xf32, #tpu.memory_space<vmem_shared>>
      tpu.enqueue_indirect_dma source(%arg8 : memref<128x8xf32, #tpu.memory_space<vmem>>) target(%dma_start3A_34 : memref<50048x8xf32, #tpu.memory_space<vmem_shared>>) offsets(%dma_start3A_31 : memref<128xi32, #tpu.memory_space<vmem>>) semaphore(%arg9 : memref<!tpu.dma_semaphore, #tpu.memory_space<semaphore_mem>>) {add = true}
      %dma_start3A_35 = arith.constant 2 : i32
      %dma_start3A_36 = arith.constant 0 : i32
      %dma_start3A_37 = tpu.memref_slice %arg7[%dma_start3A_35, %dma_start3A_36] : memref<8x128xi32, #tpu.memory_space<vmem>> -> memref<1x128xi32, #tpu.memory_space<vmem>>
      %dma_start3A_38 = tpu.memref_squeeze %dma_start3A_37 : memref<1x128xi32, #tpu.memory_space<vmem>> -> memref<128xi32, #tpu.memory_space<vmem>>
      %dma_start3A_39 = arith.constant 0 : i32
      %dma_start3A_40 = arith.constant 0 : i32
      %dma_start3A_41 = tpu.memref_slice %arg10[%dma_start3A_39, %dma_start3A_40] : memref<50048x8xf32, #tpu.memory_space<vmem_shared>> -> memref<50048x8xf32, #tpu.memory_space<vmem_shared>>
      tpu.enqueue_indirect_dma source(%arg8 : memref<128x8xf32, #tpu.memory_space<vmem>>) target(%dma_start3A_41 : memref<50048x8xf32, #tpu.memory_space<vmem_shared>>) offsets(%dma_start3A_38 : memref<128xi32, #tpu.memory_space<vmem>>) semaphore(%arg9 : memref<!tpu.dma_semaphore, #tpu.memory_space<semaphore_mem>>) {add = true}
      %dma_start3A_42 = arith.constant 3 : i32
      %dma_start3A_43 = arith.constant 0 : i32
      %dma_start3A_44 = tpu.memref_slice %arg7[%dma_start3A_42, %dma_start3A_43] : memref<8x128xi32, #tpu.memory_space<vmem>> -> memref<1x128xi32, #tpu.memory_space<vmem>>
      %dma_start3A_45 = tpu.memref_squeeze %dma_start3A_44 : memref<1x128xi32, #tpu.memory_space<vmem>> -> memref<128xi32, #tpu.memory_space<vmem>>
      %dma_start3A_46 = arith.constant 0 : i32
      %dma_start3A_47 = arith.constant 0 : i32
      %dma_start3A_48 = tpu.memref_slice %arg10[%dma_start3A_46, %dma_start3A_47] : memref<50048x8xf32, #tpu.memory_space<vmem_shared>> -> memref<50048x8xf32, #tpu.memory_space<vmem_shared>>
      tpu.enqueue_indirect_dma source(%arg8 : memref<128x8xf32, #tpu.memory_space<vmem>>) target(%dma_start3A_48 : memref<50048x8xf32, #tpu.memory_space<vmem_shared>>) offsets(%dma_start3A_45 : memref<128xi32, #tpu.memory_space<vmem>>) semaphore(%arg9 : memref<!tpu.dma_semaphore, #tpu.memory_space<semaphore_mem>>) {add = true}
      %dma_start3A_49 = arith.constant 4 : i32
      %dma_start3A_50 = arith.constant 0 : i32
      %dma_start3A_51 = tpu.memref_slice %arg7[%dma_start3A_49, %dma_start3A_50] : memref<8x128xi32, #tpu.memory_space<vmem>> -> memref<1x128xi32, #tpu.memory_space<vmem>>
      %dma_start3A_52 = tpu.memref_squeeze %dma_start3A_51 : memref<1x128xi32, #tpu.memory_space<vmem>> -> memref<128xi32, #tpu.memory_space<vmem>>
      %dma_start3A_53 = arith.constant 0 : i32
      %dma_start3A_54 = arith.constant 0 : i32
      %dma_start3A_55 = tpu.memref_slice %arg10[%dma_start3A_53, %dma_start3A_54] : memref<50048x8xf32, #tpu.memory_space<vmem_shared>> -> memref<50048x8xf32, #tpu.memory_space<vmem_shared>>
      tpu.enqueue_indirect_dma source(%arg8 : memref<128x8xf32, #tpu.memory_space<vmem>>) target(%dma_start3A_55 : memref<50048x8xf32, #tpu.memory_space<vmem_shared>>) offsets(%dma_start3A_52 : memref<128xi32, #tpu.memory_space<vmem>>) semaphore(%arg9 : memref<!tpu.dma_semaphore, #tpu.memory_space<semaphore_mem>>) {add = true}
      %dma_start3A_56 = arith.constant 5 : i32
      %dma_start3A_57 = arith.constant 0 : i32
      %dma_start3A_58 = tpu.memref_slice %arg7[%dma_start3A_56, %dma_start3A_57] : memref<8x128xi32, #tpu.memory_space<vmem>> -> memref<1x128xi32, #tpu.memory_space<vmem>>
      %dma_start3A_59 = tpu.memref_squeeze %dma_start3A_58 : memref<1x128xi32, #tpu.memory_space<vmem>> -> memref<128xi32, #tpu.memory_space<vmem>>
      %dma_start3A_60 = arith.constant 0 : i32
      %dma_start3A_61 = arith.constant 0 : i32
      %dma_start3A_62 = tpu.memref_slice %arg10[%dma_start3A_60, %dma_start3A_61] : memref<50048x8xf32, #tpu.memory_space<vmem_shared>> -> memref<50048x8xf32, #tpu.memory_space<vmem_shared>>
      tpu.enqueue_indirect_dma source(%arg8 : memref<128x8xf32, #tpu.memory_space<vmem>>) target(%dma_start3A_62 : memref<50048x8xf32, #tpu.memory_space<vmem_shared>>) offsets(%dma_start3A_59 : memref<128xi32, #tpu.memory_space<vmem>>) semaphore(%arg9 : memref<!tpu.dma_semaphore, #tpu.memory_space<semaphore_mem>>) {add = true}
      %dma_start3A_63 = arith.constant 6 : i32
      %dma_start3A_64 = arith.constant 0 : i32
      %dma_start3A_65 = tpu.memref_slice %arg7[%dma_start3A_63, %dma_start3A_64] : memref<8x128xi32, #tpu.memory_space<vmem>> -> memref<1x128xi32, #tpu.memory_space<vmem>>
      %dma_start3A_66 = tpu.memref_squeeze %dma_start3A_65 : memref<1x128xi32, #tpu.memory_space<vmem>> -> memref<128xi32, #tpu.memory_space<vmem>>
      %dma_start3A_67 = arith.constant 0 : i32
      %dma_start3A_68 = arith.constant 0 : i32
      %dma_start3A_69 = tpu.memref_slice %arg10[%dma_start3A_67, %dma_start3A_68] : memref<50048x8xf32, #tpu.memory_space<vmem_shared>> -> memref<50048x8xf32, #tpu.memory_space<vmem_shared>>
      tpu.enqueue_indirect_dma source(%arg8 : memref<128x8xf32, #tpu.memory_space<vmem>>) target(%dma_start3A_69 : memref<50048x8xf32, #tpu.memory_space<vmem_shared>>) offsets(%dma_start3A_66 : memref<128xi32, #tpu.memory_space<vmem>>) semaphore(%arg9 : memref<!tpu.dma_semaphore, #tpu.memory_space<semaphore_mem>>) {add = true}
      %dma_start3A_70 = arith.constant 7 : i32
      %dma_start3A_71 = arith.constant 0 : i32
      %dma_start3A_72 = tpu.memref_slice %arg7[%dma_start3A_70, %dma_start3A_71] : memref<8x128xi32, #tpu.memory_space<vmem>> -> memref<1x128xi32, #tpu.memory_space<vmem>>
      %dma_start3A_73 = tpu.memref_squeeze %dma_start3A_72 : memref<1x128xi32, #tpu.memory_space<vmem>> -> memref<128xi32, #tpu.memory_space<vmem>>
      %dma_start3A_74 = arith.constant 0 : i32
      %dma_start3A_75 = arith.constant 0 : i32
      %dma_start3A_76 = tpu.memref_slice %arg10[%dma_start3A_74, %dma_start3A_75] : memref<50048x8xf32, #tpu.memory_space<vmem_shared>> -> memref<50048x8xf32, #tpu.memory_space<vmem_shared>>
      tpu.enqueue_indirect_dma source(%arg8 : memref<128x8xf32, #tpu.memory_space<vmem>>) target(%dma_start3A_76 : memref<50048x8xf32, #tpu.memory_space<vmem_shared>>) offsets(%dma_start3A_73 : memref<128xi32, #tpu.memory_space<vmem>>) semaphore(%arg9 : memref<!tpu.dma_semaphore, #tpu.memory_space<semaphore_mem>>) {add = true}
      %dma_wait3A = arith.constant 0 : i32
      %dma_wait3A_77 = arith.constant 0 : i32
      %dma_wait3A_78 = tpu.memref_slice %arg7[%dma_wait3A, %dma_wait3A_77] : memref<8x128xi32, #tpu.memory_space<vmem>> -> memref<1x128xi32, #tpu.memory_space<vmem>>
      %dma_wait3A_79 = tpu.memref_squeeze %dma_wait3A_78 : memref<1x128xi32, #tpu.memory_space<vmem>> -> memref<128xi32, #tpu.memory_space<vmem>>
      %dma_wait3A_80 = arith.constant 0 : i32
      %dma_wait3A_81 = arith.constant 0 : i32
      %dma_wait3A_82 = tpu.memref_slice %arg10[%dma_wait3A_80, %dma_wait3A_81] : memref<50048x8xf32, #tpu.memory_space<vmem_shared>> -> memref<50048x8xf32, #tpu.memory_space<vmem_shared>>
      tpu.wait_indirect_dma semaphore(%arg9 : memref<!tpu.dma_semaphore, #tpu.memory_space<semaphore_mem>>) src(%arg8 : memref<128x8xf32, #tpu.memory_space<vmem>>) dst(%dma_wait3A_82 : memref<50048x8xf32, #tpu.memory_space<vmem_shared>>)
      %dma_wait3A_83 = arith.constant 1 : i32
      %dma_wait3A_84 = arith.constant 0 : i32
      %dma_wait3A_85 = tpu.memref_slice %arg7[%dma_wait3A_83, %dma_wait3A_84] : memref<8x128xi32, #tpu.memory_space<vmem>> -> memref<1x128xi32, #tpu.memory_space<vmem>>
      %dma_wait3A_86 = tpu.memref_squeeze %dma_wait3A_85 : memref<1x128xi32, #tpu.memory_space<vmem>> -> memref<128xi32, #tpu.memory_space<vmem>>
      %dma_wait3A_87 = arith.constant 0 : i32
      %dma_wait3A_88 = arith.constant 0 : i32
      %dma_wait3A_89 = tpu.memref_slice %arg10[%dma_wait3A_87, %dma_wait3A_88] : memref<50048x8xf32, #tpu.memory_space<vmem_shared>> -> memref<50048x8xf32, #tpu.memory_space<vmem_shared>>
      tpu.wait_indirect_dma semaphore(%arg9 : memref<!tpu.dma_semaphore, #tpu.memory_space<semaphore_mem>>) src(%arg8 : memref<128x8xf32, #tpu.memory_space<vmem>>) dst(%dma_wait3A_89 : memref<50048x8xf32, #tpu.memory_space<vmem_shared>>)
      %dma_wait3A_90 = arith.constant 2 : i32
      %dma_wait3A_91 = arith.constant 0 : i32
      %dma_wait3A_92 = tpu.memref_slice %arg7[%dma_wait3A_90, %dma_wait3A_91] : memref<8x128xi32, #tpu.memory_space<vmem>> -> memref<1x128xi32, #tpu.memory_space<vmem>>
      %dma_wait3A_93 = tpu.memref_squeeze %dma_wait3A_92 : memref<1x128xi32, #tpu.memory_space<vmem>> -> memref<128xi32, #tpu.memory_space<vmem>>
      %dma_wait3A_94 = arith.constant 0 : i32
      %dma_wait3A_95 = arith.constant 0 : i32
      %dma_wait3A_96 = tpu.memref_slice %arg10[%dma_wait3A_94, %dma_wait3A_95] : memref<50048x8xf32, #tpu.memory_space<vmem_shared>> -> memref<50048x8xf32, #tpu.memory_space<vmem_shared>>
      tpu.wait_indirect_dma semaphore(%arg9 : memref<!tpu.dma_semaphore, #tpu.memory_space<semaphore_mem>>) src(%arg8 : memref<128x8xf32, #tpu.memory_space<vmem>>) dst(%dma_wait3A_96 : memref<50048x8xf32, #tpu.memory_space<vmem_shared>>)
      %dma_wait3A_97 = arith.constant 3 : i32
      %dma_wait3A_98 = arith.constant 0 : i32
      %dma_wait3A_99 = tpu.memref_slice %arg7[%dma_wait3A_97, %dma_wait3A_98] : memref<8x128xi32, #tpu.memory_space<vmem>> -> memref<1x128xi32, #tpu.memory_space<vmem>>
      %dma_wait3A_100 = tpu.memref_squeeze %dma_wait3A_99 : memref<1x128xi32, #tpu.memory_space<vmem>> -> memref<128xi32, #tpu.memory_space<vmem>>
      %dma_wait3A_101 = arith.constant 0 : i32
      %dma_wait3A_102 = arith.constant 0 : i32
      %dma_wait3A_103 = tpu.memref_slice %arg10[%dma_wait3A_101, %dma_wait3A_102] : memref<50048x8xf32, #tpu.memory_space<vmem_shared>> -> memref<50048x8xf32, #tpu.memory_space<vmem_shared>>
      tpu.wait_indirect_dma semaphore(%arg9 : memref<!tpu.dma_semaphore, #tpu.memory_space<semaphore_mem>>) src(%arg8 : memref<128x8xf32, #tpu.memory_space<vmem>>) dst(%dma_wait3A_103 : memref<50048x8xf32, #tpu.memory_space<vmem_shared>>)
      %dma_wait3A_104 = arith.constant 4 : i32
      %dma_wait3A_105 = arith.constant 0 : i32
      %dma_wait3A_106 = tpu.memref_slice %arg7[%dma_wait3A_104, %dma_wait3A_105] : memref<8x128xi32, #tpu.memory_space<vmem>> -> memref<1x128xi32, #tpu.memory_space<vmem>>
      %dma_wait3A_107 = tpu.memref_squeeze %dma_wait3A_106 : memref<1x128xi32, #tpu.memory_space<vmem>> -> memref<128xi32, #tpu.memory_space<vmem>>
      %dma_wait3A_108 = arith.constant 0 : i32
      %dma_wait3A_109 = arith.constant 0 : i32
      %dma_wait3A_110 = tpu.memref_slice %arg10[%dma_wait3A_108, %dma_wait3A_109] : memref<50048x8xf32, #tpu.memory_space<vmem_shared>> -> memref<50048x8xf32, #tpu.memory_space<vmem_shared>>
      tpu.wait_indirect_dma semaphore(%arg9 : memref<!tpu.dma_semaphore, #tpu.memory_space<semaphore_mem>>) src(%arg8 : memref<128x8xf32, #tpu.memory_space<vmem>>) dst(%dma_wait3A_110 : memref<50048x8xf32, #tpu.memory_space<vmem_shared>>)
      %dma_wait3A_111 = arith.constant 5 : i32
      %dma_wait3A_112 = arith.constant 0 : i32
      %dma_wait3A_113 = tpu.memref_slice %arg7[%dma_wait3A_111, %dma_wait3A_112] : memref<8x128xi32, #tpu.memory_space<vmem>> -> memref<1x128xi32, #tpu.memory_space<vmem>>
      %dma_wait3A_114 = tpu.memref_squeeze %dma_wait3A_113 : memref<1x128xi32, #tpu.memory_space<vmem>> -> memref<128xi32, #tpu.memory_space<vmem>>
      %dma_wait3A_115 = arith.constant 0 : i32
      %dma_wait3A_116 = arith.constant 0 : i32
      %dma_wait3A_117 = tpu.memref_slice %arg10[%dma_wait3A_115, %dma_wait3A_116] : memref<50048x8xf32, #tpu.memory_space<vmem_shared>> -> memref<50048x8xf32, #tpu.memory_space<vmem_shared>>
      tpu.wait_indirect_dma semaphore(%arg9 : memref<!tpu.dma_semaphore, #tpu.memory_space<semaphore_mem>>) src(%arg8 : memref<128x8xf32, #tpu.memory_space<vmem>>) dst(%dma_wait3A_117 : memref<50048x8xf32, #tpu.memory_space<vmem_shared>>)
      %dma_wait3A_118 = arith.constant 6 : i32
      %dma_wait3A_119 = arith.constant 0 : i32
      %dma_wait3A_120 = tpu.memref_slice %arg7[%dma_wait3A_118, %dma_wait3A_119] : memref<8x128xi32, #tpu.memory_space<vmem>> -> memref<1x128xi32, #tpu.memory_space<vmem>>
      %dma_wait3A_121 = tpu.memref_squeeze %dma_wait3A_120 : memref<1x128xi32, #tpu.memory_space<vmem>> -> memref<128xi32, #tpu.memory_space<vmem>>
      %dma_wait3A_122 = arith.constant 0 : i32
      %dma_wait3A_123 = arith.constant 0 : i32
      %dma_wait3A_124 = tpu.memref_slice %arg10[%dma_wait3A_122, %dma_wait3A_123] : memref<50048x8xf32, #tpu.memory_space<vmem_shared>> -> memref<50048x8xf32, #tpu.memory_space<vmem_shared>>
      tpu.wait_indirect_dma semaphore(%arg9 : memref<!tpu.dma_semaphore, #tpu.memory_space<semaphore_mem>>) src(%arg8 : memref<128x8xf32, #tpu.memory_space<vmem>>) dst(%dma_wait3A_124 : memref<50048x8xf32, #tpu.memory_space<vmem_shared>>)
      %dma_wait3A_125 = arith.constant 7 : i32
      %dma_wait3A_126 = arith.constant 0 : i32
      %dma_wait3A_127 = tpu.memref_slice %arg7[%dma_wait3A_125, %dma_wait3A_126] : memref<8x128xi32, #tpu.memory_space<vmem>> -> memref<1x128xi32, #tpu.memory_space<vmem>>
      %dma_wait3A_128 = tpu.memref_squeeze %dma_wait3A_127 : memref<1x128xi32, #tpu.memory_space<vmem>> -> memref<128xi32, #tpu.memory_space<vmem>>
      %dma_wait3A_129 = arith.constant 0 : i32
      %dma_wait3A_130 = arith.constant 0 : i32
      %dma_wait3A_131 = tpu.memref_slice %arg10[%dma_wait3A_129, %dma_wait3A_130] : memref<50048x8xf32, #tpu.memory_space<vmem_shared>> -> memref<50048x8xf32, #tpu.memory_space<vmem_shared>>
      tpu.wait_indirect_dma semaphore(%arg9 : memref<!tpu.dma_semaphore, #tpu.memory_space<semaphore_mem>>) src(%arg8 : memref<128x8xf32, #tpu.memory_space<vmem>>) dst(%dma_wait3A_131 : memref<50048x8xf32, #tpu.memory_space<vmem_shared>>)
    }
    %scan3A_9 = arith.constant 25 : i32
    %barrier3A_10 = arith.constant 0 : index
    tpu.barrier barrier_id(%barrier3A_10)
    %eq3A = arith.constant 0 : i32
    %eq3A_11 = arith.cmpi eq, %arg0, %eq3A : i32
    %convert_element_type3A = arith.extui %eq3A_11 : i1 to i32
    %cond3A = arith.constant 0 : i32
    %cond3A_12 = arith.cmpi ne, %convert_element_type3A, %cond3A : i32
    scf.if %cond3A_12 {
      "tpu.region"() ({
        %run_scoped3A = tpu.sem_alloc : memref<!tpu.dma_semaphore, #tpu.memory_space<semaphore_mem>>
        %dma_start3A = arith.constant 0 : i32
        %dma_start3A_18 = tpu.memref_slice %arg5[%mul3A_2, %dma_start3A] : memref<50048x8xf32, #tpu.memory_space<hbm>> -> memref<3128x8xf32, #tpu.memory_space<hbm>>
        %dma_start3A_19 = arith.constant 0 : i32
        %dma_start3A_20 = tpu.memref_slice %arg10[%mul3A_2, %dma_start3A_19] : memref<50048x8xf32, #tpu.memory_space<vmem_shared>> -> memref<3128x8xf32, #tpu.memory_space<vmem_shared>>
        tpu.enqueue_dma source(%dma_start3A_20 : memref<3128x8xf32, #tpu.memory_space<vmem_shared>>) target(%dma_start3A_18 : memref<3128x8xf32, #tpu.memory_space<hbm>>) target_semaphore(%run_scoped3A : memref<!tpu.dma_semaphore, #tpu.memory_space<semaphore_mem>>)
        %dma_wait3A = arith.constant 0 : i32
        %dma_wait3A_21 = tpu.memref_slice %arg5[%mul3A_2, %dma_wait3A] : memref<50048x8xf32, #tpu.memory_space<hbm>> -> memref<3128x8xf32, #tpu.memory_space<hbm>>
        %dma_wait3A_22 = arith.constant 0 : i32
        %dma_wait3A_23 = tpu.memref_slice %arg10[%mul3A_2, %dma_wait3A_22] : memref<50048x8xf32, #tpu.memory_space<vmem_shared>> -> memref<3128x8xf32, #tpu.memory_space<vmem_shared>>
        tpu.wait_dma2 semaphore(%run_scoped3A : memref<!tpu.dma_semaphore, #tpu.memory_space<semaphore_mem>>) src(%dma_wait3A_23 : memref<3128x8xf32, #tpu.memory_space<vmem_shared>>) dst(%dma_wait3A_21 : memref<3128x8xf32, #tpu.memory_space<hbm>>)
        tpu.yield
      }) : () -> ()
    } else {
    }
    %eq3A_13 = arith.constant 1 : i32
    %eq3A_14 = arith.cmpi eq, %arg0, %eq3A_13 : i32
    %convert_element_type3A_15 = arith.extui %eq3A_14 : i1 to i32
    %cond3A_16 = arith.constant 0 : i32
    %cond3A_17 = arith.cmpi ne, %convert_element_type3A_15, %cond3A_16 : i32
    scf.if %cond3A_17 {
      "tpu.region"() ({
        %run_scoped3A = tpu.sem_alloc : memref<!tpu.dma_semaphore, #tpu.memory_space<semaphore_mem>>
        %dma_start3A = arith.constant 0 : i32
        %dma_start3A_18 = tpu.memref_slice %arg6[%mul3A_2, %dma_start3A] : memref<50048x8xf32, #tpu.memory_space<hbm>> -> memref<3128x8xf32, #tpu.memory_space<hbm>>
        %dma_start3A_19 = arith.constant 0 : i32
        %dma_start3A_20 = tpu.memref_slice %arg10[%mul3A_2, %dma_start3A_19] : memref<50048x8xf32, #tpu.memory_space<vmem_shared>> -> memref<3128x8xf32, #tpu.memory_space<vmem_shared>>
        tpu.enqueue_dma source(%dma_start3A_20 : memref<3128x8xf32, #tpu.memory_space<vmem_shared>>) target(%dma_start3A_18 : memref<3128x8xf32, #tpu.memory_space<hbm>>) target_semaphore(%run_scoped3A : memref<!tpu.dma_semaphore, #tpu.memory_space<semaphore_mem>>)
        %dma_wait3A = arith.constant 0 : i32
        %dma_wait3A_21 = tpu.memref_slice %arg6[%mul3A_2, %dma_wait3A] : memref<50048x8xf32, #tpu.memory_space<hbm>> -> memref<3128x8xf32, #tpu.memory_space<hbm>>
        %dma_wait3A_22 = arith.constant 0 : i32
        %dma_wait3A_23 = tpu.memref_slice %arg10[%mul3A_2, %dma_wait3A_22] : memref<50048x8xf32, #tpu.memory_space<vmem_shared>> -> memref<3128x8xf32, #tpu.memory_space<vmem_shared>>
        tpu.wait_dma2 semaphore(%run_scoped3A : memref<!tpu.dma_semaphore, #tpu.memory_space<semaphore_mem>>) src(%dma_wait3A_23 : memref<3128x8xf32, #tpu.memory_space<vmem_shared>>) dst(%dma_wait3A_21 : memref<3128x8xf32, #tpu.memory_space<hbm>>)
        tpu.yield
      }) : () -> ()
    } else {
    }
    return
  }
}

module attributes {stable_mosaic.version = 14 : i64} {
  func.func @_mm_body(%arg0: i32, %arg1: i32, %arg2: memref<2000x64xf32, #tpu.memory_space<vmem>>, %arg3: memref<1x64x32xf32, #tpu.memory_space<vmem>>, %arg4: memref<2000x8xf32, #tpu.memory_space<vmem>>, %arg5: memref<2000x8xf32, #tpu.memory_space<vmem>>, %arg6: memref<2000x32xbf16, #tpu.memory_space<vmem>>, %arg7: memref<2000x1xf32, #tpu.memory_space<vmem>>) attributes {dimension_semantics = [#tpu.dimension_semantics<arbitrary>, #tpu.dimension_semantics<arbitrary>], iteration_bounds = array<i64: 25, 2>, scalar_prefetch = 0 : i64, scratch_operands = 0 : i64, tpu.core_type = #tpu.core_type<tc>, window_params = [{transform_indices = @transform_0, window_bounds = array<i64: 2000, 64>}, {transform_indices = @transform_1, window_bounds = array<i64: 1, 64, 32>}, {transform_indices = @transform_2, window_bounds = array<i64: 2000, 8>}, {transform_indices = @transform_3, window_bounds = array<i64: 2000, 8>}, {transform_indices = @transform_4, window_bounds = array<i64: 2000, 32>}, {transform_indices = @transform_5, window_bounds = array<i64: 2000, 1>}]} {
    %get3A = arith.constant 0 : index
    %get3A_0 = arith.constant 0 : index
    %get3A_1 = vector.load %arg4[%get3A, %get3A_0] : memref<2000x8xf32, #tpu.memory_space<vmem>>, vector<2000x1xf32>
    %get3A_2 = arith.constant 0 : index
    %get3A_3 = arith.constant 0 : index
    %get3A_4 = vector.load %arg5[%get3A_2, %get3A_3] : memref<2000x8xf32, #tpu.memory_space<vmem>>, vector<2000x1xf32>
    %add3A = arith.addf %get3A_1, %get3A_4 : vector<2000x1xf32>
    %add3A_5 = arith.constant 1.000000e+00 : f32
    %add3A_6 = vector.broadcast %add3A_5 : f32 to vector<2000x1xf32>
    %add3A_7 = arith.addf %add3A, %add3A_6 : vector<2000x1xf32>
    %rsqrt3A = math.rsqrt %add3A_7 : vector<2000x1xf32>
    %get3A_8 = arith.constant 0 : index
    %get3A_9 = arith.constant 0 : index
    %get3A_10 = vector.load %arg2[%get3A_8, %get3A_9] : memref<2000x64xf32, #tpu.memory_space<vmem>>, vector<2000x64xf32>
    %get3A_11 = arith.constant 0 : index
    %get3A_12 = arith.constant 0 : index
    %get3A_13 = arith.constant 0 : index
    %get3A_14 = vector.load %arg3[%get3A_11, %get3A_12, %get3A_13] : memref<1x64x32xf32, #tpu.memory_space<vmem>>, vector<1x64x32xf32>
    %get3A_15 = vector.shape_cast %get3A_14 : vector<1x64x32xf32> to vector<64x32xf32>
    %dot_general3A = arith.constant dense<0.000000e+00> : vector<2000x32xf32>
    %dot_general3A_16 = tpu.matmul %get3A_10, %get3A_15, %dot_general3A {dimension_numbers = #tpu.dot_dimension_numbers<[1], [0], [0], [1], [0, 0, 1, 1], [], []>, transpose_lhs_hint = false} : vector<2000x64xf32>, vector<64x32xf32>, vector<2000x32xf32> -> vector<2000x32xf32>
    %mul3A = vector.broadcast %rsqrt3A : vector<2000x1xf32> to vector<2000x32xf32>
    %mul3A_17 = arith.mulf %dot_general3A_16, %mul3A : vector<2000x32xf32>
    %convert_element_type3A = arith.truncf %mul3A_17 : vector<2000x32xf32> to vector<2000x32xbf16>
    %swap3A = arith.constant 0 : index
    %swap3A_18 = arith.constant 0 : index
    %swap3A_19 = vector.load %arg6[%swap3A, %swap3A_18] : memref<2000x32xbf16, #tpu.memory_space<vmem>>, vector<2000x32xbf16>
    tpu.vector_store %arg6[%swap3A, %swap3A_18], %convert_element_type3A {strides = array<i32>} : memref<2000x32xbf16, #tpu.memory_space<vmem>>, vector<2000x32xbf16>,
    %swap3A_20 = arith.constant 0 : index
    %swap3A_21 = arith.constant 0 : index
    %swap3A_22 = vector.load %arg7[%swap3A_20, %swap3A_21] : memref<2000x1xf32, #tpu.memory_space<vmem>>, vector<2000x1xf32>
    tpu.vector_store %arg7[%swap3A_20, %swap3A_21], %rsqrt3A {strides = array<i32>} : memref<2000x1xf32, #tpu.memory_space<vmem>>, vector<2000x1xf32>,
    return
  }
  func.func @transform_0(%arg0: i32, %arg1: i32) -> (i32, i32) {
    %c0_i32 = arith.constant 0 : i32
    %c0_i32_0 = arith.constant 0 : i32
    return %arg0, %c0_i32 : i32, i32
  }
  func.func @transform_1(%arg0: i32, %arg1: i32) -> (i32, i32, i32) {
    %c0_i32 = arith.constant 0 : i32
    %c0_i32_0 = arith.constant 0 : i32
    %c0_i32_1 = arith.constant 0 : i32
    return %arg1, %c0_i32, %c0_i32_0 : i32, i32, i32
  }
  func.func @transform_2(%arg0: i32, %arg1: i32) -> (i32, i32) {
    %c0_i32 = arith.constant 0 : i32
    %c0_i32_0 = arith.constant 0 : i32
    return %arg0, %c0_i32 : i32, i32
  }
  func.func @transform_3(%arg0: i32, %arg1: i32) -> (i32, i32) {
    %c0_i32 = arith.constant 0 : i32
    %c0_i32_0 = arith.constant 0 : i32
    return %arg0, %c0_i32 : i32, i32
  }
  func.func @transform_4(%arg0: i32, %arg1: i32) -> (i32, i32) {
    %mul3A = arith.constant 25 : i32
    %mul3A_0 = arith.muli %arg1, %mul3A : i32
    %add3A = arith.addi %mul3A_0, %arg0 : i32
    %c0_i32 = arith.constant 0 : i32
    %c0_i32_1 = arith.constant 0 : i32
    return %add3A, %c0_i32 : i32, i32
  }
  func.func @transform_5(%arg0: i32, %arg1: i32) -> (i32, i32) {
    %c0_i32 = arith.constant 0 : i32
    %c0_i32_0 = arith.constant 0 : i32
    return %arg0, %c0_i32 : i32, i32
  }
}

module attributes {stable_mosaic.version = 14 : i64} {
  func.func @_combine_body(%arg0: i32, %arg1: memref<2000x32xbf16, #tpu.memory_space<vmem>>, %arg2: memref<2000x32xbf16, #tpu.memory_space<vmem>>, %arg3: memref<2000x32xbf16, #tpu.memory_space<vmem>>, %arg4: memref<2000x32xbf16, #tpu.memory_space<vmem>>, %arg5: memref<2000x1xf32, #tpu.memory_space<vmem>>, %arg6: memref<1x32xf32, #tpu.memory_space<vmem>>, %arg7: memref<1x32xf32, #tpu.memory_space<vmem>>, %arg8: memref<2000x64xf32, #tpu.memory_space<vmem>>) attributes {dimension_semantics = [#tpu.dimension_semantics<arbitrary>], iteration_bounds = array<i64: 25>, scalar_prefetch = 0 : i64, scratch_operands = 0 : i64, tpu.core_type = #tpu.core_type<tc>, window_params = [{transform_indices = @transform_0, window_bounds = array<i64: 2000, 32>}, {transform_indices = @transform_1, window_bounds = array<i64: 2000, 32>}, {transform_indices = @transform_2, window_bounds = array<i64: 2000, 32>}, {transform_indices = @transform_3, window_bounds = array<i64: 2000, 32>}, {transform_indices = @transform_4, window_bounds = array<i64: 2000, 1>}, {pipeline_mode = #tpu.pipeline_mode<synchronous>, transform_indices = @transform_5, window_bounds = array<i64: 1, 32>}, {pipeline_mode = #tpu.pipeline_mode<synchronous>, transform_indices = @transform_6, window_bounds = array<i64: 1, 32>}, {transform_indices = @transform_7, window_bounds = array<i64: 2000, 64>}]} {
    %get3A = arith.constant 0 : index
    %get3A_0 = arith.constant 0 : index
    %get3A_1 = vector.load %arg5[%get3A, %get3A_0] : memref<2000x1xf32, #tpu.memory_space<vmem>>, vector<2000x1xf32>
    %get3A_2 = arith.constant 0 : index
    %get3A_3 = arith.constant 0 : index
    %get3A_4 = vector.load %arg1[%get3A_2, %get3A_3] : memref<2000x32xbf16, #tpu.memory_space<vmem>>, vector<2000x32xbf16>
    %convert_element_type3A = arith.extf %get3A_4 : vector<2000x32xbf16> to vector<2000x32xf32>
    %get3A_5 = arith.constant 0 : index
    %get3A_6 = arith.constant 0 : index
    %get3A_7 = vector.load %arg2[%get3A_5, %get3A_6] : memref<2000x32xbf16, #tpu.memory_space<vmem>>, vector<2000x32xbf16>
    %convert_element_type3A_8 = arith.extf %get3A_7 : vector<2000x32xbf16> to vector<2000x32xf32>
    %get3A_9 = arith.constant 0 : index
    %get3A_10 = arith.constant 0 : index
    %get3A_11 = vector.load %arg3[%get3A_9, %get3A_10] : memref<2000x32xbf16, #tpu.memory_space<vmem>>, vector<2000x32xbf16>
    %convert_element_type3A_12 = arith.extf %get3A_11 : vector<2000x32xbf16> to vector<2000x32xf32>
    %get3A_13 = arith.constant 0 : index
    %get3A_14 = arith.constant 0 : index
    %get3A_15 = vector.load %arg4[%get3A_13, %get3A_14] : memref<2000x32xbf16, #tpu.memory_space<vmem>>, vector<2000x32xbf16>
    %convert_element_type3A_16 = arith.extf %get3A_15 : vector<2000x32xbf16> to vector<2000x32xf32>
    %add3A = arith.addf %convert_element_type3A, %convert_element_type3A_12 : vector<2000x32xf32>
    %mul3A = vector.broadcast %get3A_1 : vector<2000x1xf32> to vector<2000x32xf32>
    %mul3A_17 = arith.mulf %mul3A, %add3A : vector<2000x32xf32>
    %get3A_18 = arith.constant 0 : index
    %get3A_19 = arith.constant 0 : index
    %get3A_20 = vector.load %arg6[%get3A_18, %get3A_19] : memref<1x32xf32, #tpu.memory_space<vmem>>, vector<1x32xf32>
    %add3A_21 = vector.broadcast %get3A_20 : vector<1x32xf32> to vector<2000x32xf32>
    %add3A_22 = arith.addf %mul3A_17, %add3A_21 : vector<2000x32xf32>
    %add3A_23 = arith.addf %convert_element_type3A_8, %convert_element_type3A_16 : vector<2000x32xf32>
    %mul3A_24 = vector.broadcast %get3A_1 : vector<2000x1xf32> to vector<2000x32xf32>
    %mul3A_25 = arith.mulf %mul3A_24, %add3A_23 : vector<2000x32xf32>
    %get3A_26 = arith.constant 0 : index
    %get3A_27 = arith.constant 0 : index
    %get3A_28 = vector.load %arg7[%get3A_26, %get3A_27] : memref<1x32xf32, #tpu.memory_space<vmem>>, vector<1x32xf32>
    %add3A_29 = vector.broadcast %get3A_28 : vector<1x32xf32> to vector<2000x32xf32>
    %add3A_30 = arith.addf %mul3A_25, %add3A_29 : vector<2000x32xf32>
    %concatenate3A = tpu.concatenate %add3A_22, %add3A_30 in 1 : vector<2000x32xf32>, vector<2000x32xf32> -> vector<2000x64xf32>
    %swap3A = arith.constant 0 : index
    %swap3A_31 = arith.constant 0 : index
    %swap3A_32 = vector.load %arg8[%swap3A, %swap3A_31] : memref<2000x64xf32, #tpu.memory_space<vmem>>, vector<2000x64xf32>
    tpu.vector_store %arg8[%swap3A, %swap3A_31], %concatenate3A {strides = array<i32>} : memref<2000x64xf32, #tpu.memory_space<vmem>>, vector<2000x64xf32>,
    return
  }
  func.func @transform_0(%arg0: i32) -> (i32, i32) {
    %c0_i32 = arith.constant 0 : i32
    %c0_i32_0 = arith.constant 0 : i32
    return %arg0, %c0_i32 : i32, i32
  }
  func.func @transform_1(%arg0: i32) -> (i32, i32) {
    %c0_i32 = arith.constant 0 : i32
    %c0_i32_0 = arith.constant 0 : i32
    return %arg0, %c0_i32 : i32, i32
  }
  func.func @transform_2(%arg0: i32) -> (i32, i32) {
    %c0_i32 = arith.constant 0 : i32
    %c0_i32_0 = arith.constant 0 : i32
    return %arg0, %c0_i32 : i32, i32
  }
  func.func @transform_3(%arg0: i32) -> (i32, i32) {
    %add3A = arith.constant 25 : i32
    %add3A_0 = arith.addi %arg0, %add3A : i32
    %c0_i32 = arith.constant 0 : i32
    %c0_i32_1 = arith.constant 0 : i32
    return %add3A_0, %c0_i32 : i32, i32
  }
  func.func @transform_4(%arg0: i32) -> (i32, i32) {
    %c0_i32 = arith.constant 0 : i32
    %c0_i32_0 = arith.constant 0 : i32
    return %arg0, %c0_i32 : i32, i32
  }
  func.func @transform_5(%arg0: i32) -> (i32, i32) {
    %c0_i32 = arith.constant 0 : i32
    %c0_i32_0 = arith.constant 0 : i32
    %c0_i32_1 = arith.constant 0 : i32
    return %c0_i32, %c0_i32_0 : i32, i32
  }
  func.func @transform_6(%arg0: i32) -> (i32, i32) {
    %c0_i32 = arith.constant 0 : i32
    %c0_i32_0 = arith.constant 0 : i32
    %c0_i32_1 = arith.constant 0 : i32
    return %c0_i32, %c0_i32_0 : i32, i32
  }
  func.func @transform_7(%arg0: i32) -> (i32, i32) {
    %c0_i32 = arith.constant 0 : i32
    %c0_i32_0 = arith.constant 0 : i32
    return %arg0, %c0_i32 : i32, i32
  }
}

</mosaic_0001>

<sc_bundles>
// kernel: kernel.6.cloned.1.call-start
scs
__scs_entry_jumppad:
0x0: {  	(pc) =	sbr.rel $0x88, $3  }
0x1: {  	(tag) =	ssettag $0x0;
	lr =	simm.s32 $0x1  }
0x2: {  	[smem:$0x3F9D] =	sst lr;
	_ =	strace $0xD0000000  }
0x3: {  	_ = 	snop  }
0x4: {  	_ = 	snop  }
0x5: {  	_ = 	snop  }
0x6: {  	_ = 	snop  }
0x7: {  	_ = 	snop  }
__scs_overlays_trampoline_lowered:
0x8: {  	[smem:$0x3FAC] =	sst s0  }
0x9: {  	[smem:$0x3FAD] =	sst s1  }
0xa: {  	[smem:$0x3FAE] =	sst s2  }
0xb: {  	[smem:$0x3FAF] =	sst s3  }
0xc: {  	[smem:$0x3FB0] =	sst s4  }
0xd: {  	[smem:$0x3FB1] =	sst s5  }
0xe: {  	[smem:$0x3FB2] =	sst s6  }
0xf: {  	[smem:$0x3FB3] =	sst s7  }
0x10: {  	[smem:$0x3FB4] =	sst s8  }
0x11: {  	[smem:$0x3FB5] =	sst s9;
	s0 =	simm.s32 @!p0 $0x0  }
0x12: {  	s1 =	sld [smem:$0x3F9B];
	s0 =	simm.s32 @p0 $0x1  }
0x13: {  	[smem:$0x3FB6] =	sst s0;
	s0 =	simm.s32 @!p1 $0x0  }
0x14: {  	s2 =	sld [smem:$0x3F9A];
	s0 =	simm.s32 @p1 $0x1  }
0x15: {  	[smem:$0x3FB7] =	sst s0;
	s0 =	simm.s32 @!p2 $0x0  }
0x16: {  	s3 =	sld [smem:$0x3FDB];
	s0 =	simm.s32 @p2 $0x1  }
0x17: {  	s4 =	simm.s32 $0x1BF5;
	[smem:$0x3FB9] =	sst s0  }
0x18: {  	s0 =	sld [smem:$0x3F9C];
	_ =	swait.ge [sflag:s4], $0x0  }
0x19: {  	s7 =	sld [smem:$0x3F9D]  }
0x1a: {  	s8 =	sadd.s32 $0xFFFFE003, lr  }
0x1b: {  	s9 =	sadd.s32 $0xFFFFFEF7, lr;
	s5 =	simm.s32 $0xFFFFFFFF;
	p2 =	slt.u32 s8, $0xFFFFF086  }
0x1c: {  	p1 =	slt.u32 s9, $0xF7A;
	s5 =	simm.s32 @!p2 $0x0  }
0x1d: {  	s5 =	simm.s32 @p1 $0x1;
	p0 =	seq.s32 s7, s2  }
0x1e: {  	s7 =	smul.u32 @!p0 $0xF7A, s2;
	p2 =	seq.s32 @!p0 s5, $0x0  }
0x1f: {  	s9 =	smul.u32 $0xF7A, s1;
	s8 =	simm.s32 @!p0 $0x1BF5;
	p2 =	por !p2, p0  }
0x20: {  	[sflag:s8] =	ssyncset.s32 @!p0 $0xFFFFF086;
	s6 =	sadd.s32 @!p0 s3, s7;
	s7 =	simm.s32 @!p0 $0x108  }
0x21: {  	s3 =	sadd.s32 s3, s9;
	s6 =	sadd.s32 @!p0 $0x88, s6;
	s7 =	simm.s32 @p2 $0x1082  }
0x22: {  	[simem:s7], [sflag:s8] =	dma.local @!p0 [hbm:s6], $0xF7A  }
0x23: {  	s9 =	sor.u32 $0xD0000000, s2;
	s6 =	simm.s32 $0x108;
	_ =	swait.ge @!p0 [sflag:s8], $0x0  }
0x24: {  	s3 =	sadd.s32 $0x88, s3;
	s6 =	simm.s32 @!p1 $0x1082;
	[sflag:s4] =	ssyncset.s32 $0xFFFFF086  }
0x25: {  	[simem:s6], [sflag:s4] =	dma.local [hbm:s3], $0xF7A  }
0x26: {  	[smem:$0x3F9D] =	sst s1;
	(tag) =	ssettag s2;
	_ =	strace s9  }
0x27: {  	s1 =	sld [smem:$0x3FAD]  }
0x28: {  	s2 =	sld [smem:$0x3FAE]  }
0x29: {  	s4 =	sld [smem:$0x3FB0]  }
0x2a: {  	p0 =	seq.s32 s5, $0x0;
	s5 =	sld [smem:$0x3FB1]  }
0x2b: {  	s6 =	sld [smem:$0x3FB2]  }
0x2c: {  	s7 =	sld [smem:$0x3FB3]  }
0x2d: {  	s3 =	simm.s32 $0x108;
	s8 =	sld [smem:$0x3FB4]  }
0x2e: {  	s3 =	simm.s32 @!p0 $0x1082;
	s9 =	sld [smem:$0x3FB5]  }
0x2f: {  	lr =	sadd.s32 s0, s3;
	s0 =	sld [smem:$0x3FAC]  }
0x30: {  	s3 =	sld [smem:$0x3FAF]  }
0x31: {  	[smem:$0x3FB8] =	sst s10  }
0x32: {  	s10 =	sld [smem:$0x3FB6];
	_ =	sdelay $0x3  }
0x33: {  	p0 =	seq.s32 s10, $0x1;
	s10 =	sld [smem:$0x3FB8];
	_ =	sdelay $0x3  }
0x34: {  	[smem:$0x3FB8] =	sst s10  }
0x35: {  	s10 =	sld [smem:$0x3FB7];
	_ =	sdelay $0x3  }
0x36: {  	p1 =	seq.s32 s10, $0x1;
	s10 =	sld [smem:$0x3FB8];
	_ =	sdelay $0x3  }
0x37: {  	[smem:$0x3FB8] =	sst s10  }
0x38: {  	s10 =	sld [smem:$0x3FB9]  }
0x39: {  	_ = 	snop;
	(pc) =	sbr.ind lr, $3  }
0x3a: {  	_ = 	snop  }
0x3b: {  	_ = 	snop  }
0x3c: {  	p2 =	seq.s32 s10, $0x1;
	s10 =	sld [smem:$0x3FB8]  }
0x3d: {  	_ =	shalt  }
0x3e: {  	_ =	shalt  }
0x3f: {  	_ =	shalt  }
0x40: {  	_ =	shalt  }
0x41: {  	_ =	shalt  }
0x42: {  	_ =	shalt  }
0x43: {  	_ =	shalt  }
0x44: {  	_ =	shalt  }
0x45: {  	_ =	shalt  }
0x46: {  	_ =	shalt  }
0x47: {  	_ =	shalt  }
0x48: {  	_ =	shalt  }
0x49: {  	_ =	shalt  }
0x4a: {  	_ =	shalt  }
0x4b: {  	_ =	shalt  }
0x4c: {  	_ =	shalt  }
0x4d: {  	_ =	shalt  }
0x4e: {  	_ =	shalt  }
0x4f: {  	_ =	shalt  }
0x50: {  	_ =	shalt  }
0x51: {  	_ =	shalt  }
0x52: {  	_ =	shalt  }
0x53: {  	_ =	shalt  }
0x54: {  	_ =	shalt  }
0x55: {  	_ =	shalt  }
0x56: {  	_ =	shalt  }
0x57: {  	_ =	shalt  }
0x58: {  	_ =	shalt  }
0x59: {  	_ =	shalt  }
0x5a: {  	_ =	shalt  }
0x5b: {  	_ =	shalt  }
0x5c: {  	_ =	shalt  }
0x5d: {  	_ =	shalt  }
0x5e: {  	_ =	shalt  }
0x5f: {  	_ =	shalt  }
0x60: {  	_ =	shalt  }
0x61: {  	_ =	shalt  }
0x62: {  	_ =	shalt  }
0x63: {  	_ =	shalt  }
0x64: {  	_ =	shalt  }
0x65: {  	_ =	shalt  }
0x66: {  	_ =	shalt  }
0x67: {  	_ =	shalt  }
0x68: {  	_ =	shalt  }
0x69: {  	_ =	shalt  }
0x6a: {  	_ =	shalt  }
0x6b: {  	_ =	shalt  }
0x6c: {  	_ =	shalt  }
0x6d: {  	_ =	shalt  }
0x6e: {  	_ =	shalt  }
0x6f: {  	_ =	shalt  }
0x70: {  	_ =	shalt  }
0x71: {  	_ =	shalt  }
0x72: {  	_ =	shalt  }
0x73: {  	_ =	shalt  }
0x74: {  	_ =	shalt  }
0x75: {  	_ =	shalt  }
0x76: {  	_ =	shalt  }
0x77: {  	_ =	shalt  }
0x78: {  	_ =	shalt  }
0x79: {  	_ =	shalt  }
0x7a: {  	_ =	shalt  }
0x7b: {  	_ =	shalt  }
0x7c: {  	_ =	shalt  }
0x7d: {  	_ =	shalt  }
0x7e: {  	_ =	shalt  }
0x7f: {  	_ =	shalt  }
0x80: {  	_ =	shalt  }
0x81: {  	_ =	shalt  }
0x82: {  	_ =	shalt  }
0x83: {  	_ =	shalt  }
0x84: {  	_ =	shalt  }
0x85: {  	_ =	shalt  }
0x86: {  	_ =	shalt  }
0x87: {  	_ =	shalt  }
.Lfunc_end0:
.L_simem_size_0:
called_computation_lowered:
.L_overlay_start_0:
0x88: {  	s2 =	sld [smem:$0x3FD9]  }
0x89: {  	s3 =	sld [smem:$0x3FFE];
	_ =	sdelay $0x1  }
0x8a: {  	s1 =	srdreg.scid  }
0x8b: {  	s0 =	sand.u32 $0x1, s1  }
0x8c: {  	s16 =	sshll.u32 s0, $0xA;
	s2 =	sadd.s32 s3, s2  }
0x8d: {  	s2 =	sadd.s32 s2, s16  }
0x8e: {  	[smem:$0x3FC4] =	sst s2  }
0x8f: {  	_ = 	snop  }
0x90: {  	(tm) =	ssettm $0x1  }
0x91: {  	s17 =	sld [smem:$0x3FFB];
	_ =	sdelay $0x3  }
0x92: {  	_ =	strace s17  }
0x93: {  	s2 =	sld [smem:$0x3FFC];
	_ =	sdelay $0x3  }
0x94: {  	_ =	strace s2  }
0x95: {  	s2 =	sld [smem:$0x3FFD];
	_ =	sdelay $0x3  }
0x96: {  	_ =	strace s2  }
0x97: {  	_ =	strace $0x8FFFFFFF  }
0x98: {  	s18 =	sld [smem:$0x3FDB];
	_ =	sdelay $0x1  }
0x99: {  	s19 =	simm.s32 $_scs_section_size  }
0x9a: {  	s4 =	simm.s32 $_size__tile_overlayer_lowered;
	s5 =	simm.s32 $_tile_overlayer_lowered  }
0x9b: {  	s22 =	simm.s32 $0x1BFF;
	s21 =	sshll.u32 s5, $0x1;
	s2 =	sadd.s32 s19, s18  }
0x9c: {  	s6 =	simm.s32 $0x0;
	s20 =	sshll.u32 s4, $0x1;
	s4 =	sadd.s32 s21, s2  }
0x9d: {  	[timem:s6], [sflag:s22] =	dma.local [hbm:s4], s20  }
0x9e: {  	_ =	swait.ge [sflag:s22], s20  }
0x9f: {  	s3 =	ssub.s32 $0x0, s20;
	[sflag:s22] =	ssyncset.done $0x0  }
0xa0: {  	[sflag:s22] =	ssyncadd.s32 s3;
	_ =	sdelay $0x1  }
0xa1: {  	s23 =	simm.s32 $0x1B8B  }
0xa2: {  	_ =	swait.ge [sflag:s23], $0x1  }
0xa3: {  	[sflag:s23] =	ssyncset.done $0x0  }
0xa4: {  	s25 =	simm.s32 $0x1B8E;
	s24 =	sld [smem:$0x3FFE];
	[sflag:s23] =	ssyncadd.s32 $0xFFFFFFFF  }
0xa5: {  	s26 =	simm.s32 $execute0_lowered;
	[smem:$0x3FD2] =	sst s25  }
0xa6: {  	s4 =	sshll.u32 s26, $0x1;
	_ =	strace $0x80000046;
	[dreg:$0x1] =	wrdreg $0xFFFFFFFF  }
0xa7: {  	s28 =	simm.s32 $_size_execute0_lowered;
	s2 =	sadd.s32 s2, s4;
	[dreg:$0x0] =	wrdreg $0x0  }
0xa8: {  	s4 =	sshll.u32 s28, $0x1;
	[dreg:$0x2] =	wrdreg s2  }
0xa9: {  	[dreg:$0x3] =	wrdreg s4  }
0xaa: {  	[dreg:$0x4] =	wrdreg $0xC0  }
0xab: {  	_ =	task [dreg:s6], $0x5FFFF  }
0xac: {  	[dreg:$0x1] =	wrdreg $0xFFFFFFFF  }
0xad: {  	[dreg:$0x0] =	wrdreg $0x60  }
0xae: {  	[dreg:$0x2] =	wrdreg s24  }
0xaf: {  	[dreg:$0x3] =	wrdreg $0x8000  }
0xb0: {  	[dreg:$0x4] =	wrdreg $0x9  }
0xb1: {  	_ =	task.clear_ibuf [dreg:s6], $0x5FFFF;
	_ =	strace $0x90000046  }
0xb2: {  	s29 =	simm.s32 $0x9;
	_ =	strace $0x80000048  }
0xb3: {  	_ =	swait.ge [sflag:s29], $0x1  }
0xb4: {  	[sflag:s29] =	ssyncadd.s32 $0xFFFFFFFF  }
0xb5: {  	_ =	strace $0x90000048  }
0xb6: {  	_ =	sfence  }
0xb7: {  	s30 =	sld [smem:$0x0];
	_ =	sdelay $0x2  }
0xb8: {  	s31 =	sshll.u32 s1, $0xD;
	s1 =	sshrl.u32 s1, $0x2  }
0xb9: {  	s3 =	sand.u32 $0x4000, s31;
	s1 =	sadd.s32 s1, s30  }
0xba: {  	s0 =	sor.u32 s3, s0;
	s1 =	sshll.u32 s1, $0x11  }
0xbb: {  	s0 =	sor.u32 s1, s0  }
0xbc: {  	s0 =	sadd.s32 $0x8F2B, s0  }
0xbd: {  	[sflag:s0] =	ssyncadd.remote.s32 $0x1  }
0xbe: {  	_ =	sfence.sel $0xFFFF  }
0xbf: {  	[dreg:$0x0] =	wrdreg $0xFFFFFFFF;
	(pc) =	sbr.abs _section_cstart, $3  }
0xc0: {  	[dreg:$0x1] =	wrdreg $0xFFFFFFFF  }
0xc1: {  	_ =	task.clear_ibuf [dreg:s6], $0x2FFFF;
	_ =	strace $0x9FFFFFFF  }
0xc2: {  	(tm) =	ssettm $0x7FFFFFFF  }
0xc3: {  	_ =	shalt  }
tec
execute0_lowered:
.L_overlay_start_1:
0x0: {  	(tag) =	ssettag $0x1  }
0x1: {  	s6 =	rddreg [dreg:$0x0]  }
0x2: {  	s2 =	rddreg [dreg:$0x1]  }
0x3: {  	s0 =	srdreg.scid;
	s1 =	rddreg [dreg:$0x2]  }
0x4: {  	s3 =	simm.s32 $0x0;
	s10 =	simm.s32 $0x1C600;
	s13 =	simm.s32 $0x80  }
0x5: {  	s14 =	simm.s32 $0x100;
	s15 =	simm.s32 $0x180;
	s16 =	simm.s32 $0x200  }
0x6: {  	s17 =	simm.s32 $0x280;
	s18 =	simm.s32 $0x300;
	s19 =	simm.s32 $0x380  }
0x7: {  	s20 =	simm.s32 $0x1;
	s5 =	sand.u32 $0x1, s0;
	s0 =	stileid.u32  }
0x8: {  	s21 =	simm.s32 $0x0;
	[smem:$0x7FF] =	sst s3;
	s4 =	smul.u32 $0x64000, s5  }
0x9: {  	s7 =	smul.u32 $0x6400, s0;
	_ =	strace $0x80000047;
	s29 =	ssub.s32 $0x2, s5  }
0xa: {  	s9 =	smul.u32 $0x61C0, s0;
	p0 =	seq.s32 s5, $0x1;
	s5 =	sadd.s32 $0x1B600, s6  }
0xb: {  	s31 =	sshll.u32 s0, $0x6;
	s11 =	sshrl.u32 s29, $0x1;
	s10 =	simm.s32 @!p0 $0x28A00  }
0xc: {  	s4 =	sadd.s32 s7, s4;
	s7 =	ssub.s32 s29, s11;
	s30 =	sshrl.u32 s9, $0x3  }
0xd: {  	s10 =	sadd.s32 s10, s6;
	s12 =	sadd.s32 s9, s2;
	s9 =	simm.s32 $0x400  }
0xe: {  	s11 =	sor.u32 $0x1C02, s31;
	s4 =	sshrl.u32 s4, $0x3;
	s12 =	sshrl.u32 s12, $0x3  }
0xf: {  	s8 =	sadd.s32 s4, s6;
	s4 =	sadd.s32 $0x1C400, s6;
	s6 =	smax.u32 s7, $0x1  }
0x10: {  	s7 =	sadd.s32 s10, s30;
	s10 =	simm.s32 $0x2;
	s8 =	sadd.s32 $0x2600, s8  }
.LBB2_1:
0x11: {  	[tilespmem:s9], [sflag:$0x2] =	stream.linear.gather [hbm4b:s4+s3], $0x400, $0x38;
	[tilespmem:$0x69C0] =	vst v63  }
0x12: {  	_ =	swait.ge [sflag:s10], $0x400  }
0x13: {  	[sflag:s10] =	ssyncset.done $0x0  }
0x14: {  	[sflag:s10] =	ssyncadd.s32 $0xFFFFFC00  }
0x15: {  	[spmem:s12], [sflag:s11] =	dma.local [hbm:s5], $0xC38  }
0x16: {  	_ =	swait.ge [sflag:s10], $0xC38  }
0x17: {  	[sflag:s10] =	ssyncset.done $0x0  }
0x18: {  	[sflag:s10] =	ssyncadd.s32 $0xFFFFF3C8  }
0x19: {  	s22 =	sadd.s32 $0x0, s8;
	[bflag:$0x0] =	sbarrier.arrive $0xFFFF  }
0x1a: {  	[tilespmem:s3], [sflag:$0x2] =	stream.linear.gather [hbm4b:s22+s3], $0x400, $0x38;
	[tilespmem:$0x69C0] =	vst v63  }
0x1b: {  	_ =	swait.ge [sflag:s10], $0x400  }
0x1c: {  	[sflag:s10] =	ssyncset.done $0x0  }
0x1d: {  	[sflag:s10] =	ssyncadd.s32 $0xFFFFFC00  }
0x1e: {  	[spmem:s2] =	stream.indirect.scatter.add.f32 [tilespmem:s9], [sflag:$0x1], $0x8, s3, s13, $0xb8;
	[tilespmem:$0x69C0] =	vst v63  }
0x1f: {  	_ = 	snop  }
0x20: {  	[spmem:s2] =	stream.indirect.scatter.add.f32 [tilespmem:s9], [sflag:$0x1], $0x8, s13, s13, $0xb8;
	[tilespmem:$0x69C0] =	vst v63  }
0x21: {  	_ = 	snop  }
0x22: {  	[spmem:s2] =	stream.indirect.scatter.add.f32 [tilespmem:s9], [sflag:$0x1], $0x8, s14, s13, $0xb8;
	[tilespmem:$0x69C0] =	vst v63  }
0x23: {  	_ = 	snop  }
0x24: {  	[spmem:s2] =	stream.indirect.scatter.add.f32 [tilespmem:s9], [sflag:$0x1], $0x8, s15, s13, $0xb8;
	[tilespmem:$0x69C0] =	vst v63  }
0x25: {  	_ = 	snop  }
0x26: {  	[spmem:s2] =	stream.indirect.scatter.add.f32 [tilespmem:s9], [sflag:$0x1], $0x8, s16, s13, $0xb8;
	[tilespmem:$0x69C0] =	vst v63  }
0x27: {  	_ = 	snop  }
0x28: {  	[spmem:s2] =	stream.indirect.scatter.add.f32 [tilespmem:s9], [sflag:$0x1], $0x8, s17, s13, $0xb8;
	[tilespmem:$0x69C0] =	vst v63  }
0x29: {  	_ = 	snop  }
0x2a: {  	[spmem:s2] =	stream.indirect.scatter.add.f32 [tilespmem:s9], [sflag:$0x1], $0x8, s18, s13, $0xb8;
	[tilespmem:$0x69C0] =	vst v63  }
0x2b: {  	_ = 	snop  }
0x2c: {  	[spmem:s2] =	stream.indirect.scatter.add.f32 [tilespmem:s9], [sflag:$0x1], $0x8, s19, s13, $0xb8;
	[tilespmem:$0x69C0] =	vst v63  }
0x2d: {  	_ =	swait.ge [sflag:s20], $0x400  }
0x2e: {  	[sflag:s20] =	ssyncset.done $0x0  }
0x2f: {  	[sflag:s20] =	ssyncadd.s32 $0xFFFFFC00  }
0x30: {  	_ =	swait.ge [sflag:s20], $0x400  }
0x31: {  	[sflag:s20] =	ssyncset.done $0x0  }
0x32: {  	[sflag:s20] =	ssyncadd.s32 $0xFFFFFC00  }
0x33: {  	_ =	swait.ge [sflag:s20], $0x400  }
0x34: {  	[sflag:s20] =	ssyncset.done $0x0  }
0x35: {  	[sflag:s20] =	ssyncadd.s32 $0xFFFFFC00  }
0x36: {  	_ =	swait.ge [sflag:s20], $0x400  }
0x37: {  	[sflag:s20] =	ssyncset.done $0x0  }
0x38: {  	[sflag:s20] =	ssyncadd.s32 $0xFFFFFC00  }
0x39: {  	_ =	swait.ge [sflag:s20], $0x400  }
0x3a: {  	[sflag:s20] =	ssyncset.done $0x0  }
0x3b: {  	[sflag:s20] =	ssyncadd.s32 $0xFFFFFC00  }
0x3c: {  	_ =	swait.ge [sflag:s20], $0x400  }
0x3d: {  	[sflag:s20] =	ssyncset.done $0x0  }
0x3e: {  	[sflag:s20] =	ssyncadd.s32 $0xFFFFFC00  }
0x3f: {  	_ =	swait.ge [sflag:s20], $0x400  }
0x40: {  	[sflag:s20] =	ssyncset.done $0x0  }
0x41: {  	[sflag:s20] =	ssyncadd.s32 $0xFFFFFC00  }
0x42: {  	_ =	swait.ge [sflag:s20], $0x400  }
0x43: {  	s24 =	simm.s32 $0x100;
	s22 =	simm.s32 $0x80;
	[sflag:s20] =	ssyncset.done $0x0  }
.LBB2_2:
0x44: {  	s25 =	sadd.s32 s22, s8  }
0x45: {  	[sflag:s20] =	ssyncadd.s32 $0xFFFFFC00;
	s22 =	smov.u32 s24;
	s23 =	sadd.s32 $0x80, s24  }
0x46: {  	[tilespmem:s3], [sflag:$0x2] =	stream.linear.gather [hbm4b:s25+s3], $0x400, $0x38;
	[tilespmem:$0x69C0] =	vst v63  }
0x47: {  	p0 =	sne.s32 s24, $0xC00;
	_ =	swait.ge [sflag:s10], $0x400  }
0x48: {  	[sflag:s10] =	ssyncset.done $0x0  }
0x49: {  	[sflag:s10] =	ssyncadd.s32 $0xFFFFFC00  }
0x4a: {  	[spmem:s2] =	stream.indirect.scatter.add.f32 [tilespmem:s9], [sflag:$0x1], $0x8, s3, s13, $0xb8;
	[tilespmem:$0x69C0] =	vst v63  }
0x4b: {  	_ = 	snop  }
0x4c: {  	[spmem:s2] =	stream.indirect.scatter.add.f32 [tilespmem:s9], [sflag:$0x1], $0x8, s13, s13, $0xb8;
	[tilespmem:$0x69C0] =	vst v63  }
0x4d: {  	_ = 	snop  }
0x4e: {  	[spmem:s2] =	stream.indirect.scatter.add.f32 [tilespmem:s9], [sflag:$0x1], $0x8, s14, s13, $0xb8;
	[tilespmem:$0x69C0] =	vst v63  }
0x4f: {  	_ = 	snop  }
0x50: {  	[spmem:s2] =	stream.indirect.scatter.add.f32 [tilespmem:s9], [sflag:$0x1], $0x8, s15, s13, $0xb8;
	[tilespmem:$0x69C0] =	vst v63  }
0x51: {  	_ = 	snop  }
0x52: {  	[spmem:s2] =	stream.indirect.scatter.add.f32 [tilespmem:s9], [sflag:$0x1], $0x8, s16, s13, $0xb8;
	[tilespmem:$0x69C0] =	vst v63  }
0x53: {  	_ = 	snop  }
0x54: {  	[spmem:s2] =	stream.indirect.scatter.add.f32 [tilespmem:s9], [sflag:$0x1], $0x8, s17, s13, $0xb8;
	[tilespmem:$0x69C0] =	vst v63  }
0x55: {  	_ = 	snop  }
0x56: {  	[spmem:s2] =	stream.indirect.scatter.add.f32 [tilespmem:s9], [sflag:$0x1], $0x8, s18, s13, $0xb8;
	[tilespmem:$0x69C0] =	vst v63  }
0x57: {  	_ = 	snop  }
0x58: {  	[spmem:s2] =	stream.indirect.scatter.add.f32 [tilespmem:s9], [sflag:$0x1], $0x8, s19, s13, $0xb8;
	[tilespmem:$0x69C0] =	vst v63  }
0x59: {  	_ =	swait.ge [sflag:s20], $0x400  }
0x5a: {  	[sflag:s20] =	ssyncset.done $0x0  }
0x5b: {  	[sflag:s20] =	ssyncadd.s32 $0xFFFFFC00  }
0x5c: {  	_ =	swait.ge [sflag:s20], $0x400  }
0x5d: {  	[sflag:s20] =	ssyncset.done $0x0  }
0x5e: {  	[sflag:s20] =	ssyncadd.s32 $0xFFFFFC00  }
0x5f: {  	_ =	swait.ge [sflag:s20], $0x400  }
0x60: {  	[sflag:s20] =	ssyncset.done $0x0  }
0x61: {  	[sflag:s20] =	ssyncadd.s32 $0xFFFFFC00  }
0x62: {  	_ =	swait.ge [sflag:s20], $0x400  }
0x63: {  	[sflag:s20] =	ssyncset.done $0x0  }
0x64: {  	[sflag:s20] =	ssyncadd.s32 $0xFFFFFC00  }
0x65: {  	_ =	swait.ge [sflag:s20], $0x400  }
0x66: {  	[sflag:s20] =	ssyncset.done $0x0  }
0x67: {  	[sflag:s20] =	ssyncadd.s32 $0xFFFFFC00  }
0x68: {  	_ =	swait.ge [sflag:s20], $0x400  }
0x69: {  	[sflag:s20] =	ssyncset.done $0x0  }
0x6a: {  	[sflag:s20] =	ssyncadd.s32 $0xFFFFFC00  }
.Ltmp0:
0x6b: {  	_ =	swait.ge [sflag:s20], $0x400;
	(pc) =	sbr.rel @p0 .LBB2_2-.Ltmp0, $4  }
0x6c: {  	[sflag:s20] =	ssyncset.done $0x0  }
0x6d: {  	[sflag:s20] =	ssyncadd.s32 $0xFFFFFC00  }
0x6e: {  	_ =	swait.ge [sflag:s20], $0x400  }
0x6f: {  	s24 =	smov.u32 s23;
	[sflag:s20] =	ssyncset.done $0x0  }
0x70: {  	s22 =	sadd.s32 s22, s8;
	[sflag:s20] =	ssyncadd.s32 $0xFFFFFC00  }
0x71: {  	[tilespmem:s3], [sflag:$0x2] =	stream.linear.gather [hbm4b:s22+s3], $0x400, $0x38;
	[tilespmem:$0x69C0] =	vst v63  }
0x72: {  	_ =	swait.ge [sflag:s10], $0x400  }
0x73: {  	[sflag:s10] =	ssyncset.done $0x0  }
0x74: {  	[sflag:s10] =	ssyncadd.s32 $0xFFFFFC00  }
0x75: {  	[spmem:s2] =	stream.indirect.scatter.add.f32 [tilespmem:s9], [sflag:$0x1], $0x8, s3, s13, $0xb8;
	[tilespmem:$0x69C0] =	vst v63  }
0x76: {  	_ = 	snop  }
0x77: {  	[spmem:s2] =	stream.indirect.scatter.add.f32 [tilespmem:s9], [sflag:$0x1], $0x8, s13, s13, $0xb8;
	[tilespmem:$0x69C0] =	vst v63  }
0x78: {  	_ = 	snop  }
0x79: {  	[spmem:s2] =	stream.indirect.scatter.add.f32 [tilespmem:s9], [sflag:$0x1], $0x8, s14, s13, $0xb8;
	[tilespmem:$0x69C0] =	vst v63  }
0x7a: {  	_ = 	snop  }
0x7b: {  	[spmem:s2] =	stream.indirect.scatter.add.f32 [tilespmem:s9], [sflag:$0x1], $0x8, s15, s13, $0xb8;
	[tilespmem:$0x69C0] =	vst v63  }
0x7c: {  	_ = 	snop  }
0x7d: {  	[spmem:s2] =	stream.indirect.scatter.add.f32 [tilespmem:s9], [sflag:$0x1], $0x8, s16, s13, $0xb8;
	[tilespmem:$0x69C0] =	vst v63  }
0x7e: {  	_ = 	snop  }
0x7f: {  	[spmem:s2] =	stream.indirect.scatter.add.f32 [tilespmem:s9], [sflag:$0x1], $0x8, s17, s13, $0xb8;
	[tilespmem:$0x69C0] =	vst v63  }
0x80: {  	_ = 	snop  }
0x81: {  	[spmem:s2] =	stream.indirect.scatter.add.f32 [tilespmem:s9], [sflag:$0x1], $0x8, s18, s13, $0xb8;
	[tilespmem:$0x69C0] =	vst v63  }
0x82: {  	_ = 	snop  }
0x83: {  	[spmem:s2] =	stream.indirect.scatter.add.f32 [tilespmem:s9], [sflag:$0x1], $0x8, s19, s13, $0xb8;
	[tilespmem:$0x69C0] =	vst v63  }
0x84: {  	_ =	swait.ge [sflag:s20], $0x400  }
0x85: {  	[sflag:s20] =	ssyncset.done $0x0  }
0x86: {  	[sflag:s20] =	ssyncadd.s32 $0xFFFFFC00  }
0x87: {  	_ =	swait.ge [sflag:s20], $0x400  }
0x88: {  	[sflag:s20] =	ssyncset.done $0x0  }
0x89: {  	[sflag:s20] =	ssyncadd.s32 $0xFFFFFC00  }
0x8a: {  	_ =	swait.ge [sflag:s20], $0x400  }
0x8b: {  	[sflag:s20] =	ssyncset.done $0x0  }
0x8c: {  	[sflag:s20] =	ssyncadd.s32 $0xFFFFFC00  }
0x8d: {  	_ =	swait.ge [sflag:s20], $0x400  }
0x8e: {  	[sflag:s20] =	ssyncset.done $0x0  }
0x8f: {  	[sflag:s20] =	ssyncadd.s32 $0xFFFFFC00  }
0x90: {  	_ =	swait.ge [sflag:s20], $0x400  }
0x91: {  	[sflag:s20] =	ssyncset.done $0x0  }
0x92: {  	[sflag:s20] =	ssyncadd.s32 $0xFFFFFC00  }
0x93: {  	_ =	swait.ge [sflag:s20], $0x400  }
0x94: {  	[sflag:s20] =	ssyncset.done $0x0  }
0x95: {  	[sflag:s20] =	ssyncadd.s32 $0xFFFFFC00  }
0x96: {  	_ =	swait.ge [sflag:s20], $0x400  }
0x97: {  	[sflag:s20] =	ssyncset.done $0x0  }
0x98: {  	[sflag:s20] =	ssyncadd.s32 $0xFFFFFC00  }
0x99: {  	_ =	swait.ge [sflag:s20], $0x400  }
0x9a: {  	s21 =	sadd.s32 $0x1, s21;
	[sflag:s20] =	ssyncset.done $0x0  }
0x9b: {  	p0 =	sne.s32 s21, s6;
	[sflag:s20] =	ssyncadd.s32 $0xFFFFFC00  }
.Ltmp1:
0x9c: {  	[bflag:$0x0] =	sbarrier.arrive $0xFFFF;
	(pc) =	sbr.rel @p0 .LBB2_1-.Ltmp1, $4  }
0x9d: {  	[hbm:s7], [sflag:s11] =	dma.local [spmem:s12], $0xC38  }
0x9e: {  	_ =	swait.ge [sflag:s10], $0xC38  }
0x9f: {  	[sflag:s10] =	ssyncset.done $0x0  }
0xa0: {  	[sflag:s10] =	ssyncadd.s32 $0xFFFFF3C8  }
0xa1: {  	_ =	sfence.sel $0x180000  }
0xa2: {  	[bflag:$0x0] =	sbarrier.arrive $0xFFFF  }
0xa3: {  	p0 =	sne.s32 s0, $0x0;
	_ =	strace $0x90000047  }
0xa4: {  	s0 =	sadd.s32 @!p0 $0x100000, s1;
	[bflag:$0x2] =	sbarrier.arrive $0xFFFF  }
0xa5: {  	[sflag:s0] =	ssyncadd.tile.s32 @!p0 $0x1;
	_ =	shalt  }
.Lfunc_end2:
_tile_overlayer_lowered:
.L_overlay_start_2:
0xa6: {  	(tag) =	ssettag $0x2  }
0xa7: {  	s0 =	rddreg [dreg:$0x0];
	s2 =	stileid.u32  }
0xa8: {  	s1 =	rddreg [dreg:$0x1];
	p0 =	sne.s32 s2, $0x0  }
0xa9: {  	s3 =	rddreg [dreg:$0x2];
	[bflag:$0x3] =	sbarrier.arrive $0xFFFF;
	s2 =	simm.s32 @!p0 $0x1C02  }
0xaa: {  	[timem:s3], [sflag:s2] =	dma.local @!p0 [hbm:s0], s1  }
0xab: {  	s0 =	simm.s32 @!p0 $0x2  }
0xac: {  	_ =	swait.ge @!p0 [sflag:s0], s1  }
0xad: {  	s1 =	ssub.s32 @!p0 $0x0, s1;
	[sflag:s0] =	ssyncset.done @!p0 $0x0  }
0xae: {  	[sflag:s0] =	ssyncadd.s32 @!p0 s1  }
0xaf: {  	[bflag:$0x3] =	sbarrier.arrive $0xFFFF  }
0xb0: {  	_ =	shalt  }

// kernel: kernel.9.cloned.1.call-start
scs
__scs_entry_jumppad:
0x0: {  	(pc) =	sbr.rel $0x88, $3  }
0x1: {  	(tag) =	ssettag $0x0;
	lr =	simm.s32 $0x1  }
0x2: {  	[smem:$0x3F9D] =	sst lr;
	_ =	strace $0xD0000000  }
0x3: {  	_ = 	snop  }
0x4: {  	_ = 	snop  }
0x5: {  	_ = 	snop  }
0x6: {  	_ = 	snop  }
0x7: {  	_ = 	snop  }
__scs_overlays_trampoline_lowered:
0x8: {  	[smem:$0x3FAC] =	sst s0  }
0x9: {  	[smem:$0x3FAD] =	sst s1  }
0xa: {  	[smem:$0x3FAE] =	sst s2  }
0xb: {  	[smem:$0x3FAF] =	sst s3  }
0xc: {  	[smem:$0x3FB0] =	sst s4  }
0xd: {  	[smem:$0x3FB1] =	sst s5  }
0xe: {  	[smem:$0x3FB2] =	sst s6  }
0xf: {  	[smem:$0x3FB3] =	sst s7  }
0x10: {  	[smem:$0x3FB4] =	sst s8  }
0x11: {  	[smem:$0x3FB5] =	sst s9;
	s0 =	simm.s32 @!p0 $0x0  }
0x12: {  	s1 =	sld [smem:$0x3F9B];
	s0 =	simm.s32 @p0 $0x1  }
0x13: {  	[smem:$0x3FB6] =	sst s0;
	s0 =	simm.s32 @!p1 $0x0  }
0x14: {  	s2 =	sld [smem:$0x3F9A];
	s0 =	simm.s32 @p1 $0x1  }
0x15: {  	[smem:$0x3FB7] =	sst s0;
	s0 =	simm.s32 @!p2 $0x0  }
0x16: {  	s3 =	sld [smem:$0x3FDB];
	s0 =	simm.s32 @p2 $0x1  }
0x17: {  	s4 =	simm.s32 $0x1BF5;
	[smem:$0x3FB9] =	sst s0  }
0x18: {  	s0 =	sld [smem:$0x3F9C];
	_ =	swait.ge [sflag:s4], $0x0  }
0x19: {  	s7 =	sld [smem:$0x3F9D]  }
0x1a: {  	s8 =	sadd.s32 $0xFFFFE003, lr  }
0x1b: {  	s9 =	sadd.s32 $0xFFFFFEF7, lr;
	s5 =	simm.s32 $0xFFFFFFFF;
	p2 =	slt.u32 s8, $0xFFFFF086  }
0x1c: {  	p1 =	slt.u32 s9, $0xF7A;
	s5 =	simm.s32 @!p2 $0x0  }
0x1d: {  	s5 =	simm.s32 @p1 $0x1;
	p0 =	seq.s32 s7, s2  }
0x1e: {  	s7 =	smul.u32 @!p0 $0xF7A, s2;
	p2 =	seq.s32 @!p0 s5, $0x0  }
0x1f: {  	s9 =	smul.u32 $0xF7A, s1;
	s8 =	simm.s32 @!p0 $0x1BF5;
	p2 =	por !p2, p0  }
0x20: {  	[sflag:s8] =	ssyncset.s32 @!p0 $0xFFFFF086;
	s6 =	sadd.s32 @!p0 s3, s7;
	s7 =	simm.s32 @!p0 $0x108  }
0x21: {  	s3 =	sadd.s32 s3, s9;
	s6 =	sadd.s32 @!p0 $0x88, s6;
	s7 =	simm.s32 @p2 $0x1082  }
0x22: {  	[simem:s7], [sflag:s8] =	dma.local @!p0 [hbm:s6], $0xF7A  }
0x23: {  	s9 =	sor.u32 $0xD0000000, s2;
	s6 =	simm.s32 $0x108;
	_ =	swait.ge @!p0 [sflag:s8], $0x0  }
0x24: {  	s3 =	sadd.s32 $0x88, s3;
	s6 =	simm.s32 @!p1 $0x1082;
	[sflag:s4] =	ssyncset.s32 $0xFFFFF086  }
0x25: {  	[simem:s6], [sflag:s4] =	dma.local [hbm:s3], $0xF7A  }
0x26: {  	[smem:$0x3F9D] =	sst s1;
	(tag) =	ssettag s2;
	_ =	strace s9  }
0x27: {  	s1 =	sld [smem:$0x3FAD]  }
0x28: {  	s2 =	sld [smem:$0x3FAE]  }
0x29: {  	s4 =	sld [smem:$0x3FB0]  }
0x2a: {  	p0 =	seq.s32 s5, $0x0;
	s5 =	sld [smem:$0x3FB1]  }
0x2b: {  	s6 =	sld [smem:$0x3FB2]  }
0x2c: {  	s7 =	sld [smem:$0x3FB3]  }
0x2d: {  	s3 =	simm.s32 $0x108;
	s8 =	sld [smem:$0x3FB4]  }
0x2e: {  	s3 =	simm.s32 @!p0 $0x1082;
	s9 =	sld [smem:$0x3FB5]  }
0x2f: {  	lr =	sadd.s32 s0, s3;
	s0 =	sld [smem:$0x3FAC]  }
0x30: {  	s3 =	sld [smem:$0x3FAF]  }
0x31: {  	[smem:$0x3FB8] =	sst s10  }
0x32: {  	s10 =	sld [smem:$0x3FB6];
	_ =	sdelay $0x3  }
0x33: {  	p0 =	seq.s32 s10, $0x1;
	s10 =	sld [smem:$0x3FB8];
	_ =	sdelay $0x3  }
0x34: {  	[smem:$0x3FB8] =	sst s10  }
0x35: {  	s10 =	sld [smem:$0x3FB7];
	_ =	sdelay $0x3  }
0x36: {  	p1 =	seq.s32 s10, $0x1;
	s10 =	sld [smem:$0x3FB8];
	_ =	sdelay $0x3  }
0x37: {  	[smem:$0x3FB8] =	sst s10  }
0x38: {  	s10 =	sld [smem:$0x3FB9]  }
0x39: {  	_ = 	snop;
	(pc) =	sbr.ind lr, $3  }
0x3a: {  	_ = 	snop  }
0x3b: {  	_ = 	snop  }
0x3c: {  	p2 =	seq.s32 s10, $0x1;
	s10 =	sld [smem:$0x3FB8]  }
0x3d: {  	_ =	shalt  }
0x3e: {  	_ =	shalt  }
0x3f: {  	_ =	shalt  }
0x40: {  	_ =	shalt  }
0x41: {  	_ =	shalt  }
0x42: {  	_ =	shalt  }
0x43: {  	_ =	shalt  }
0x44: {  	_ =	shalt  }
0x45: {  	_ =	shalt  }
0x46: {  	_ =	shalt  }
0x47: {  	_ =	shalt  }
0x48: {  	_ =	shalt  }
0x49: {  	_ =	shalt  }
0x4a: {  	_ =	shalt  }
0x4b: {  	_ =	shalt  }
0x4c: {  	_ =	shalt  }
0x4d: {  	_ =	shalt  }
0x4e: {  	_ =	shalt  }
0x4f: {  	_ =	shalt  }
0x50: {  	_ =	shalt  }
0x51: {  	_ =	shalt  }
0x52: {  	_ =	shalt  }
0x53: {  	_ =	shalt  }
0x54: {  	_ =	shalt  }
0x55: {  	_ =	shalt  }
0x56: {  	_ =	shalt  }
0x57: {  	_ =	shalt  }
0x58: {  	_ =	shalt  }
0x59: {  	_ =	shalt  }
0x5a: {  	_ =	shalt  }
0x5b: {  	_ =	shalt  }
0x5c: {  	_ =	shalt  }
0x5d: {  	_ =	shalt  }
0x5e: {  	_ =	shalt  }
0x5f: {  	_ =	shalt  }
0x60: {  	_ =	shalt  }
0x61: {  	_ =	shalt  }
0x62: {  	_ =	shalt  }
0x63: {  	_ =	shalt  }
0x64: {  	_ =	shalt  }
0x65: {  	_ =	shalt  }
0x66: {  	_ =	shalt  }
0x67: {  	_ =	shalt  }
0x68: {  	_ =	shalt  }
0x69: {  	_ =	shalt  }
0x6a: {  	_ =	shalt  }
0x6b: {  	_ =	shalt  }
0x6c: {  	_ =	shalt  }
0x6d: {  	_ =	shalt  }
0x6e: {  	_ =	shalt  }
0x6f: {  	_ =	shalt  }
0x70: {  	_ =	shalt  }
0x71: {  	_ =	shalt  }
0x72: {  	_ =	shalt  }
0x73: {  	_ =	shalt  }
0x74: {  	_ =	shalt  }
0x75: {  	_ =	shalt  }
0x76: {  	_ =	shalt  }
0x77: {  	_ =	shalt  }
0x78: {  	_ =	shalt  }
0x79: {  	_ =	shalt  }
0x7a: {  	_ =	shalt  }
0x7b: {  	_ =	shalt  }
0x7c: {  	_ =	shalt  }
0x7d: {  	_ =	shalt  }
0x7e: {  	_ =	shalt  }
0x7f: {  	_ =	shalt  }
0x80: {  	_ =	shalt  }
0x81: {  	_ =	shalt  }
0x82: {  	_ =	shalt  }
0x83: {  	_ =	shalt  }
0x84: {  	_ =	shalt  }
0x85: {  	_ =	shalt  }
0x86: {  	_ =	shalt  }
0x87: {  	_ =	shalt  }
.Lfunc_end0:
.L_simem_size_0:
called_computation.1_lowered:
.L_overlay_start_0:
0x88: {  	s2 =	sld [smem:$0x3FD9]  }
0x89: {  	s3 =	sld [smem:$0x3FFE];
	_ =	sdelay $0x1  }
0x8a: {  	s1 =	srdreg.scid  }
0x8b: {  	s0 =	sand.u32 $0x1, s1  }
0x8c: {  	s17 =	sshll.u32 s0, $0xA;
	s2 =	sadd.s32 s3, s2  }
0x8d: {  	s2 =	sadd.s32 s2, s17  }
0x8e: {  	[smem:$0x3FC4] =	sst s2  }
0x8f: {  	_ = 	snop  }
0x90: {  	s2 =	sld [smem:$0x3FD0];
	(tm) =	ssettm $0x1  }
0x91: {  	s18 =	sld [smem:$0x3FFB];
	_ =	sdelay $0x3  }
0x92: {  	_ =	strace s18  }
0x93: {  	s3 =	sld [smem:$0x3FFC];
	_ =	sdelay $0x3  }
0x94: {  	_ =	strace s3  }
0x95: {  	s3 =	sld [smem:$0x3FFD];
	_ =	sdelay $0x3  }
0x96: {  	_ =	strace s3  }
0x97: {  	_ =	strace $0x8FFFFFFF  }
0x98: {  	s19 =	sld [smem:$0x3FDB];
	_ =	sdelay $0x1  }
0x99: {  	s4 =	simm.s32 $_scs_section_size  }
0x9a: {  	s5 =	simm.s32 $_size__tile_overlayer_lowered;
	s6 =	simm.s32 $_tile_overlayer_lowered  }
0x9b: {  	s22 =	simm.s32 $0x1BFF;
	s21 =	sshll.u32 s6, $0x1;
	s3 =	sadd.s32 s4, s19  }
0x9c: {  	s7 =	simm.s32 $0x0;
	s20 =	sshll.u32 s5, $0x1;
	s5 =	sadd.s32 s21, s3  }
0x9d: {  	[timem:s7], [sflag:s22] =	dma.local [hbm:s5], s20  }
0x9e: {  	_ =	swait.ge [sflag:s22], s20  }
0x9f: {  	s4 =	ssub.s32 $0x0, s20;
	[sflag:s22] =	ssyncset.done $0x0  }
0xa0: {  	[sflag:s22] =	ssyncadd.s32 s4;
	_ =	sdelay $0x1  }
0xa1: {  	s23 =	simm.s32 $0x1B8B  }
0xa2: {  	_ =	swait.ge [sflag:s23], $0x1  }
0xa3: {  	[sflag:s23] =	ssyncset.done $0x0  }
0xa4: {  	s25 =	simm.s32 $0x1B8E;
	s24 =	sld [smem:$0x3FFE];
	[sflag:s23] =	ssyncadd.s32 $0xFFFFFFFF  }
0xa5: {  	s26 =	simm.s32 $execute0_lowered;
	[smem:$0x3FD2] =	sst s25  }
0xa6: {  	s5 =	sshll.u32 s26, $0x1;
	_ =	strace $0x80000049;
	[dreg:$0x1] =	wrdreg $0xFFFFFFFF  }
0xa7: {  	s28 =	simm.s32 $_size_execute0_lowered;
	s3 =	sadd.s32 s3, s5;
	[dreg:$0x0] =	wrdreg $0x0  }
0xa8: {  	s5 =	sshll.u32 s28, $0x1;
	[dreg:$0x2] =	wrdreg s3  }
0xa9: {  	[dreg:$0x3] =	wrdreg s5  }
0xaa: {  	[dreg:$0x4] =	wrdreg $0xC0  }
0xab: {  	_ =	task [dreg:s7], $0x5FFFF  }
0xac: {  	[dreg:$0x1] =	wrdreg $0xFFFFFFFF  }
0xad: {  	[dreg:$0x0] =	wrdreg $0x60  }
0xae: {  	[dreg:$0x2] =	wrdreg s2  }
0xaf: {  	[dreg:$0x3] =	wrdreg s24  }
0xb0: {  	[dreg:$0x4] =	wrdreg $0x40000  }
0xb1: {  	[dreg:$0x5] =	wrdreg $0x9  }
0xb2: {  	_ =	task.clear_ibuf [dreg:s7], $0x6FFFF;
	_ =	strace $0x90000049  }
0xb3: {  	s29 =	simm.s32 $0x9;
	_ =	strace $0x8000004B  }
0xb4: {  	_ =	swait.ge [sflag:s29], $0x1  }
0xb5: {  	[sflag:s29] =	ssyncadd.s32 $0xFFFFFFFF  }
0xb6: {  	_ =	strace $0x9000004B  }
0xb7: {  	_ =	sfence  }
0xb8: {  	s30 =	sld [smem:$0x0];
	_ =	sdelay $0x2  }
0xb9: {  	s31 =	sshll.u32 s1, $0xD;
	s1 =	sshrl.u32 s1, $0x2  }
0xba: {  	s3 =	sand.u32 $0x4000, s31;
	s1 =	sadd.s32 s1, s30  }
0xbb: {  	s0 =	sor.u32 s3, s0;
	s1 =	sshll.u32 s1, $0x11  }
0xbc: {  	s0 =	sor.u32 s1, s0  }
0xbd: {  	s0 =	sadd.s32 $0x8F2B, s0  }
0xbe: {  	[sflag:s0] =	ssyncadd.remote.s32 $0x1  }
0xbf: {  	_ =	sfence.sel $0xFFFF  }
0xc0: {  	[dreg:$0x0] =	wrdreg $0xFFFFFFFF;
	(pc) =	sbr.abs _section_cstart, $3  }
0xc1: {  	[dreg:$0x1] =	wrdreg $0xFFFFFFFF  }
0xc2: {  	_ =	task.clear_ibuf [dreg:s7], $0x2FFFF;
	_ =	strace $0x9FFFFFFF  }
0xc3: {  	(tm) =	ssettm $0x7FFFFFFF  }
tec
execute0_lowered:
.L_overlay_start_1:
0x0: {  	(tag) =	ssettag $0x1  }
0x1: {  	s0 =	rddreg [dreg:$0x0]  }
0x2: {  	s1 =	rddreg [dreg:$0x1]  }
0x3: {  	s2 =	rddreg [dreg:$0x2];
	s3 =	simm.s32 $0x0;
	s13 =	stileid.u32  }
0x4: {  	s4 =	srdreg.scid;
	s17 =	simm.s32 $0xF;
	s18 =	simm.s32 $0xC00  }
0x5: {  	s14 =	simm.s32 $0x2;
	s15 =	simm.s32 $0xB;
	s30 =	simm.s32 $0x7  }
0x6: {  	s28 =	simm.s32 $0xE;
	s31 =	simm.s32 $0x3000;
	s5 =	smul.u32 $0x1900, s13  }
0x7: {  	s19 =	simm.s32 $0x3800;
	s29 =	simm.s32 $0x0;
	s6 =	smul.u32 $0x18700, s13  }
0x8: {  	[smem:$0x7FF] =	sst s3;
	s7 =	sand.u32 $0x1, s4;
	s8 =	smul.u32 $0x190, s13  }
0x9: {  	s4 =	sadd.s32 $0x1B600, s1;
	s12 =	sadd.s32 $0xF8400, s1;
	s23 =	sshll.u32 s13, $0x6  }
0xa: {  	s3 =	simm.s32 $0x0;
	_ =	strace $0x8000004A;
	s10 =	ssub.s32 $0x2, s7  }
0xb: {  	s11 =	smul.u32 $0x1900, s7;
	[dreg:$0x4] =	wrdreg s12;
	s16 =	sor.u32 $0x1C0F, s23  }
0xc: {  	p0 =	seq.s32 s7, $0x1;
	s12 =	simm.s32 $0x4C400;
	s7 =	smul.u32 $0x19000, s7  }
0xd: {  	s23 =	simm.s32 $0x6;
	s9 =	sadd.s32 s5, s1;
	s20 =	sshrl.u32 s10, $0x1  }
0xe: {  	s21 =	sshrl.u32 s6, $0x1;
	s12 =	simm.s32 @!p0 $0x64C00;
	s6 =	sshrl.u32 s6, $0x4  }
0xf: {  	[dreg:$0x5] =	wrdreg s16;
	s10 =	ssub.s32 s10, s20;
	s8 =	sadd.s32 s8, s11  }
0x10: {  	s22 =	sadd.s32 s21, s2;
	s25 =	sadd.s32 $0x2600, s9;
	s9 =	sadd.s32 $0x2680, s9  }
0x11: {  	s1 =	sadd.s32 s12, s1;
	s20 =	simm.s32 $0x80;
	s21 =	simm.s32 $0x1000  }
0x12: {  	s12 =	simm.s32 $0x5;
	s8 =	sshll.u32 s8, $0x4;
	[dreg:$0xc] =	wrdreg s25  }
0x13: {  	[dreg:$0x8] =	wrdreg s9;
	s26 =	smax.u32 s10, $0x1;
	s1 =	sadd.s32 s1, s6  }
0x14: {  	s11 =	sshrl.u32 s22, $0x3;
	s22 =	simm.s32 $0x1800;
	s9 =	simm.s32 $0x4  }
0x15: {  	s25 =	simm.s32 $0xC;
	s10 =	simm.s32 $0xD;
	s6 =	simm.s32 $0x8  }
.Ltmp0:
0x16: {  	s24 =	sadd.s32 s0, s8;
	[dreg:$0x9] =	wrdreg s26;
	(pc) =	sbr.rel .LBB2_1-.Ltmp0, $4  }
0x17: {  	s0 =	sadd.s32 s7, s0;
	[dreg:$0xa] =	wrdreg s1;
	s26 =	simm.s32 $0x2800  }
0x18: {  	s1 =	simm.s32 $0x9;
	s7 =	simm.s32 $0xA;
	[dreg:$0xb] =	wrdreg s11  }
0x19: {  	[dreg:$0x6] =	wrdreg s24;
	s13 =	sadd.s32 $0x80, s24;
	s8 =	sadd.s32 s5, s0  }
0x1a: {  	s24 =	simm.s32 $0x2000;
	s0 =	simm.s32 $0x3;
	[dreg:$0x7] =	wrdreg s13  }
.LBB2_4:
0x1b: {  	[bflag:$0x0] =	sbarrier.arrive $0xFFFF  }
0x1c: {  	s16 =	rddreg [dreg:$0x5]  }
0x1d: {  	s5 =	rddreg [dreg:$0xa]  }
0x1e: {  	s17 =	simm.s32 $0xF;
	s11 =	rddreg [dreg:$0xb]  }
0x1f: {  	[hbm:s5], [sflag:s16] =	dma.local [spmem:s11], $0x1870  }
0x20: {  	_ =	swait.ge [sflag:s17], $0x1870  }
0x21: {  	s3 =	rddreg [dreg:$0xd]  }
0x22: {  	s18 =	rddreg [dreg:$0x9];
	s3 =	sadd.s32 $0x1, s3  }
0x23: {  	p0 =	sne.s32 s3, s18  }
.Ltmp1:
0x24: {  	_ = 	snop;
	(pc) =	sbr.rel @!p0 .LBB2_5-.Ltmp1, $3  }
0x25: {  	_ =	sdelay $0x1  }
0x26: {  	[sflag:s17] =	ssyncset.done $0x0  }
0x27: {  	[sflag:s17] =	ssyncadd.s32 $0xFFFFE790;
	s18 =	simm.s32 $0xC00  }
.LBB2_1:
0x28: {  	[dreg:$0xd] =	wrdreg s3  }
0x29: {  	s5 =	rddreg [dreg:$0x4]  }
0x2a: {  	[spmem:s11], [sflag:s16] =	dma.local [hbm:s5], $0x1870  }
0x2b: {  	_ =	swait.ge [sflag:s17], $0x1870  }
0x2c: {  	[sflag:s17] =	ssyncset.done $0x0  }
0x2d: {  	[sflag:s17] =	ssyncadd.s32 $0xFFFFE790  }
0x2e: {  	[bflag:$0x0] =	sbarrier.arrive $0xFFFF  }
0x2f: {  	s3 =	simm.s32 $0x0;
	s17 =	rddreg [dreg:$0x6]  }
0x30: {  	[tilespmem:s3], [sflag:$0x1] =	stream.linear.gather [hbm4b:s17+s3], $0x400, $0x38;
	[tilespmem:$0x10380] =	vst v63  }
0x31: {  	s11 =	simm.s32 $0x800;
	s13 =	rddreg [dreg:$0xc]  }
0x32: {  	[tilespmem:s11], [sflag:$0x1] =	stream.linear.gather [hbm4b:s13+s3], $0x400, $0x38;
	[tilespmem:$0x10380] =	vst v63  }
0x33: {  	s16 =	rddreg [dreg:$0x7];
	s11 =	simm.s32 $0x400  }
0x34: {  	[tilespmem:s11], [sflag:$0x2] =	stream.linear.gather [hbm4b:s16+s3], $0x400, $0x38;
	[tilespmem:$0x10380] =	vst v63  }
0x35: {  	s17 =	rddreg [dreg:$0x8];
	s16 =	simm.s32 $0x0  }
0x36: {  	[tilespmem:s18], [sflag:$0x2] =	stream.linear.gather [hbm4b:s17+s3], $0x400, $0x38;
	[tilespmem:$0x10380] =	vst v63  }
.LBB2_2:
0x37: {  	s5 =	simm.s32 $0x1  }
0x38: {  	_ =	swait.ge [sflag:s5], $0x400  }
0x39: {  	[sflag:s5] =	ssyncset.done $0x0  }
0x3a: {  	[sflag:s5] =	ssyncadd.s32 $0xFFFFFC00  }
0x3b: {  	_ =	swait.ge [sflag:s5], $0x400  }
0x3c: {  	[sflag:s5] =	ssyncset.done $0x0  }
0x3d: {  	[sflag:s5] =	ssyncadd.s32 $0xFFFFFC00  }
0x3e: {  	[tilespmem:s21], [sflag:$0x3] =	stream.indirect.gather [hbm4b:s4+s20], $0x10, s3, s20, $0xb8;
	[tilespmem:$0x10380] =	vst v63  }
0x3f: {  	_ = 	snop  }
0x40: {  	[tilespmem:s22], [sflag:$0x4] =	stream.indirect.gather [hbm4b:s4+s20], $0x10, s20, s20, $0xb8;
	[tilespmem:$0x10380] =	vst v63  }
0x41: {  	s5 =	simm.s32 $0x100  }
0x42: {  	[tilespmem:s24], [sflag:$0x5] =	stream.indirect.gather [hbm4b:s4+s20], $0x10, s5, s20, $0xb8;
	[tilespmem:$0x10380] =	vst v63  }
0x43: {  	s17 =	simm.s32 $0x180  }
0x44: {  	[tilespmem:s26], [sflag:$0x6] =	stream.indirect.gather [hbm4b:s4+s20], $0x10, s17, s20, $0xb8;
	[tilespmem:$0x10380] =	vst v63  }
0x45: {  	s5 =	simm.s32 $0x200  }
0x46: {  	[tilespmem:s31], [sflag:$0x7] =	stream.indirect.gather [hbm4b:s4+s20], $0x10, s5, s20, $0xb8;
	[tilespmem:$0x10380] =	vst v63  }
0x47: {  	s17 =	simm.s32 $0x280  }
0x48: {  	[tilespmem:s19], [sflag:$0x8] =	stream.indirect.gather [hbm4b:s4+s20], $0x10, s17, s20, $0xb8;
	[tilespmem:$0x10380] =	vst v63  }
0x49: {  	_ =	swait.ge [sflag:s0], $0x800  }
0x4a: {  	[sflag:s0] =	ssyncset.done $0x0  }
0x4b: {  	s3 =	simm.s32 $0x800;
	[sflag:s0] =	ssyncadd.s32 $0xFFFFF800  }
0x4c: {  	[spmem:s2] =	stream.indirect.scatter.add.bf16 [tilespmem:s21], [sflag:$0x9], $0x10, s3, s20, $0xb8;
	[tilespmem:$0x10380] =	vst v63  }
0x4d: {  	_ =	swait.ge [sflag:s1], $0x800  }
0x4e: {  	[sflag:s1] =	ssyncset.done $0x0  }
0x4f: {  	s17 =	simm.s32 $0x300;
	[sflag:s1] =	ssyncadd.s32 $0xFFFFF800  }
0x50: {  	[tilespmem:s21], [sflag:$0x3] =	stream.indirect.gather [hbm4b:s4+s20], $0x10, s17, s20, $0xb8;
	[tilespmem:$0x10380] =	vst v63  }
0x51: {  	_ =	swait.ge [sflag:s9], $0x800  }
0x52: {  	[sflag:s9] =	ssyncset.done $0x0  }
0x53: {  	s5 =	simm.s32 $0x880;
	[sflag:s9] =	ssyncadd.s32 $0xFFFFF800  }
0x54: {  	[spmem:s2] =	stream.indirect.scatter.add.bf16 [tilespmem:s22], [sflag:$0xA], $0x10, s5, s20, $0xb8;
	[tilespmem:$0x10380] =	vst v63  }
0x55: {  	_ =	swait.ge [sflag:s7], $0x800  }
0x56: {  	[sflag:s7] =	ssyncset.done $0x0  }
0x57: {  	s17 =	simm.s32 $0x380;
	[sflag:s7] =	ssyncadd.s32 $0xFFFFF800  }
0x58: {  	[tilespmem:s22], [sflag:$0x4] =	stream.indirect.gather [hbm4b:s4+s20], $0x10, s17, s20, $0xb8;
	[tilespmem:$0x10380] =	vst v63  }
0x59: {  	_ =	swait.ge [sflag:s12], $0x800  }
0x5a: {  	[sflag:s12] =	ssyncset.done $0x0  }
0x5b: {  	s5 =	simm.s32 $0x900;
	[sflag:s12] =	ssyncadd.s32 $0xFFFFF800  }
0x5c: {  	[spmem:s2] =	stream.indirect.scatter.add.bf16 [tilespmem:s24], [sflag:$0xB], $0x10, s5, s20, $0xb8;
	[tilespmem:$0x10380] =	vst v63  }
0x5d: {  	_ =	swait.ge [sflag:s14], $0x400  }
0x5e: {  	[sflag:s14] =	ssyncset.done $0x0  }
0x5f: {  	[sflag:s14] =	ssyncadd.s32 $0xFFFFFC00  }
0x60: {  	_ =	swait.ge [sflag:s14], $0x400  }
0x61: {  	[sflag:s14] =	ssyncset.done $0x0  }
0x62: {  	[sflag:s14] =	ssyncadd.s32 $0xFFFFFC00  }
0x63: {  	_ =	swait.ge [sflag:s15], $0x800  }
0x64: {  	[sflag:s15] =	ssyncset.done $0x0  }
0x65: {  	[sflag:s15] =	ssyncadd.s32 $0xFFFFF800  }
0x66: {  	[tilespmem:s24], [sflag:$0x5] =	stream.indirect.gather [hbm4b:s4+s20], $0x10, s11, s20, $0xb8;
	[tilespmem:$0x10380] =	vst v63  }
0x67: {  	_ =	swait.ge [sflag:s23], $0x800  }
0x68: {  	[sflag:s23] =	ssyncset.done $0x0  }
0x69: {  	s11 =	simm.s32 $0x980;
	[sflag:s23] =	ssyncadd.s32 $0xFFFFF800  }
0x6a: {  	[spmem:s2] =	stream.indirect.scatter.add.bf16 [tilespmem:s26], [sflag:$0xC], $0x10, s11, s20, $0xb8;
	[tilespmem:$0x10380] =	vst v63  }
0x6b: {  	_ =	swait.ge [sflag:s25], $0x800  }
0x6c: {  	[sflag:s25] =	ssyncset.done $0x0  }
0x6d: {  	s17 =	simm.s32 $0x480;
	[sflag:s25] =	ssyncadd.s32 $0xFFFFF800  }
0x6e: {  	[tilespmem:s26], [sflag:$0x6] =	stream.indirect.gather [hbm4b:s4+s20], $0x10, s17, s20, $0xb8;
	[tilespmem:$0x10380] =	vst v63  }
0x6f: {  	_ =	swait.ge [sflag:s30], $0x800  }
0x70: {  	[sflag:s30] =	ssyncset.done $0x0  }
0x71: {  	s5 =	simm.s32 $0xA00;
	[sflag:s30] =	ssyncadd.s32 $0xFFFFF800  }
0x72: {  	[spmem:s2] =	stream.indirect.scatter.add.bf16 [tilespmem:s31], [sflag:$0xD], $0x10, s5, s20, $0xb8;
	[tilespmem:$0x10380] =	vst v63  }
0x73: {  	_ =	swait.ge [sflag:s10], $0x800  }
0x74: {  	[sflag:s10] =	ssyncset.done $0x0  }
0x75: {  	s11 =	simm.s32 $0x500;
	[sflag:s10] =	ssyncadd.s32 $0xFFFFF800  }
0x76: {  	[tilespmem:s31], [sflag:$0x7] =	stream.indirect.gather [hbm4b:s4+s20], $0x10, s11, s20, $0xb8;
	[tilespmem:$0x10380] =	vst v63  }
0x77: {  	_ =	swait.ge [sflag:s6], $0x800  }
0x78: {  	[sflag:s6] =	ssyncset.done $0x0  }
0x79: {  	s17 =	simm.s32 $0xA80;
	[sflag:s6] =	ssyncadd.s32 $0xFFFFF800  }
0x7a: {  	[spmem:s2] =	stream.indirect.scatter.add.bf16 [tilespmem:s19], [sflag:$0xE], $0x10, s17, s20, $0xb8;
	[tilespmem:$0x10380] =	vst v63  }
0x7b: {  	_ =	swait.ge [sflag:s28], $0x800  }
0x7c: {  	[sflag:s28] =	ssyncset.done $0x0  }
0x7d: {  	s5 =	simm.s32 $0x580;
	[sflag:s28] =	ssyncadd.s32 $0xFFFFF800  }
0x7e: {  	[tilespmem:s19], [sflag:$0x8] =	stream.indirect.gather [hbm4b:s4+s20], $0x10, s5, s20, $0xb8;
	[tilespmem:$0x10380] =	vst v63  }
0x7f: {  	_ =	swait.ge [sflag:s0], $0x800  }
0x80: {  	[sflag:s0] =	ssyncset.done $0x0  }
0x81: {  	s11 =	simm.s32 $0xB00;
	[sflag:s0] =	ssyncadd.s32 $0xFFFFF800  }
0x82: {  	[spmem:s2] =	stream.indirect.scatter.add.bf16 [tilespmem:s21], [sflag:$0x9], $0x10, s11, s20, $0xb8;
	[tilespmem:$0x10380] =	vst v63  }
0x83: {  	_ =	swait.ge [sflag:s1], $0x800  }
0x84: {  	[sflag:s1] =	ssyncset.done $0x0  }
0x85: {  	s17 =	simm.s32 $0x600;
	[sflag:s1] =	ssyncadd.s32 $0xFFFFF800  }
0x86: {  	[tilespmem:s21], [sflag:$0x3] =	stream.indirect.gather [hbm4b:s4+s20], $0x10, s17, s20, $0xb8;
	[tilespmem:$0x10380] =	vst v63  }
0x87: {  	_ =	swait.ge [sflag:s9], $0x800  }
0x88: {  	[sflag:s9] =	ssyncset.done $0x0  }
0x89: {  	s5 =	simm.s32 $0xB80;
	[sflag:s9] =	ssyncadd.s32 $0xFFFFF800  }
0x8a: {  	[spmem:s2] =	stream.indirect.scatter.add.bf16 [tilespmem:s22], [sflag:$0xA], $0x10, s5, s20, $0xb8;
	[tilespmem:$0x10380] =	vst v63  }
0x8b: {  	_ =	swait.ge [sflag:s7], $0x800  }
0x8c: {  	[sflag:s7] =	ssyncset.done $0x0  }
0x8d: {  	s11 =	simm.s32 $0x680;
	[sflag:s7] =	ssyncadd.s32 $0xFFFFF800  }
0x8e: {  	[tilespmem:s22], [sflag:$0x4] =	stream.indirect.gather [hbm4b:s4+s20], $0x10, s11, s20, $0xb8;
	[tilespmem:$0x10380] =	vst v63  }
0x8f: {  	_ =	swait.ge [sflag:s12], $0x800  }
0x90: {  	p0 =	seq.s32 s16, $0x1800;
	[sflag:s12] =	ssyncset.done $0x0  }
0x91: {  	s5 =	sadd.s32 @!p0 s16, s8;
	[sflag:s12] =	ssyncadd.s32 $0xFFFFF800  }
0x92: {  	[spmem:s2] =	stream.indirect.scatter.add.bf16 [tilespmem:s24], [sflag:$0xB], $0x10, s18, s20, $0xb8;
	[tilespmem:$0x10380] =	vst v63  }
0x93: {  	s5 =	sadd.s32 @!p0 $0x100, s5;
	s11 =	simm.s32 @!p0 $0x0  }
0x94: {  	[tilespmem:s11], [sflag:$0x1] =	stream.linear.gather @!p0 [hbm4b:s5+s11], $0x400, $0x38;
	[tilespmem:$0x10380] =	vst v63  }
0x95: {  	s5 =	sadd.s32 @!p0 s16, s13  }
0x96: {  	s17 =	simm.s32 @!p0 $0x800;
	s5 =	sadd.s32 @!p0 $0x100, s5  }
0x97: {  	[tilespmem:s17], [sflag:$0x1] =	stream.linear.gather @!p0 [hbm4b:s5+s11], $0x400, $0x38;
	[tilespmem:$0x10380] =	vst v63  }
0x98: {  	_ =	swait.ge [sflag:s15], $0x800  }
0x99: {  	[sflag:s15] =	ssyncset.done $0x0  }
0x9a: {  	s17 =	simm.s32 $0x700;
	[sflag:s15] =	ssyncadd.s32 $0xFFFFF800  }
0x9b: {  	[tilespmem:s24], [sflag:$0x5] =	stream.indirect.gather [hbm4b:s4+s20], $0x10, s17, s20, $0xb8;
	[tilespmem:$0x10380] =	vst v63  }
0x9c: {  	_ =	swait.ge [sflag:s23], $0x800  }
0x9d: {  	[sflag:s23] =	ssyncset.done $0x0  }
0x9e: {  	s11 =	simm.s32 $0xC80;
	[sflag:s23] =	ssyncadd.s32 $0xFFFFF800  }
0x9f: {  	[spmem:s2] =	stream.indirect.scatter.add.bf16 [tilespmem:s26], [sflag:$0xC], $0x10, s11, s20, $0xb8;
	[tilespmem:$0x10380] =	vst v63  }
0xa0: {  	_ =	swait.ge [sflag:s25], $0x800  }
0xa1: {  	[sflag:s25] =	ssyncset.done $0x0  }
0xa2: {  	s17 =	simm.s32 $0x780;
	[sflag:s25] =	ssyncadd.s32 $0xFFFFF800  }
0xa3: {  	[tilespmem:s26], [sflag:$0x6] =	stream.indirect.gather [hbm4b:s4+s20], $0x10, s17, s20, $0xb8;
	[tilespmem:$0x10380] =	vst v63  }
0xa4: {  	_ =	swait.ge [sflag:s30], $0x800  }
0xa5: {  	[sflag:s30] =	ssyncset.done $0x0  }
0xa6: {  	s11 =	simm.s32 $0xD00;
	[sflag:s30] =	ssyncadd.s32 $0xFFFFF800  }
0xa7: {  	[spmem:s2] =	stream.indirect.scatter.add.bf16 [tilespmem:s31], [sflag:$0xD], $0x10, s11, s20, $0xb8;
	[tilespmem:$0x10380] =	vst v63  }
0xa8: {  	_ =	swait.ge [sflag:s6], $0x800  }
0xa9: {  	[sflag:s6] =	ssyncset.done $0x0  }
0xaa: {  	s17 =	simm.s32 $0xD80;
	[sflag:s6] =	ssyncadd.s32 $0xFFFFF800  }
0xab: {  	[spmem:s2] =	stream.indirect.scatter.add.bf16 [tilespmem:s19], [sflag:$0xE], $0x10, s17, s20, $0xb8;
	[tilespmem:$0x10380] =	vst v63  }
0xac: {  	_ =	swait.ge [sflag:s0], $0x800  }
0xad: {  	[sflag:s0] =	ssyncset.done $0x0  }
0xae: {  	s11 =	simm.s32 $0xE00;
	[sflag:s0] =	ssyncadd.s32 $0xFFFFF800  }
0xaf: {  	[spmem:s2] =	stream.indirect.scatter.add.bf16 [tilespmem:s21], [sflag:$0x9], $0x10, s11, s20, $0xb8;
	[tilespmem:$0x10380] =	vst v63  }
0xb0: {  	_ =	swait.ge [sflag:s9], $0x800  }
0xb1: {  	[sflag:s9] =	ssyncset.done $0x0  }
0xb2: {  	s17 =	simm.s32 $0xE80;
	[sflag:s9] =	ssyncadd.s32 $0xFFFFF800  }
0xb3: {  	[spmem:s2] =	stream.indirect.scatter.add.bf16 [tilespmem:s22], [sflag:$0xA], $0x10, s17, s20, $0xb8;
	[tilespmem:$0x10380] =	vst v63  }
0xb4: {  	_ =	swait.ge [sflag:s12], $0x800  }
0xb5: {  	[sflag:s12] =	ssyncset.done $0x0  }
0xb6: {  	s11 =	simm.s32 $0xF00;
	[sflag:s12] =	ssyncadd.s32 $0xFFFFF800  }
0xb7: {  	[spmem:s2] =	stream.indirect.scatter.add.bf16 [tilespmem:s24], [sflag:$0xB], $0x10, s11, s20, $0xb8;
	[tilespmem:$0x10380] =	vst v63  }
0xb8: {  	_ =	swait.ge [sflag:s23], $0x800  }
0xb9: {  	[sflag:s23] =	ssyncset.done $0x0  }
0xba: {  	s17 =	simm.s32 $0xF80;
	[sflag:s23] =	ssyncadd.s32 $0xFFFFF800  }
0xbb: {  	[spmem:s2] =	stream.indirect.scatter.add.bf16 [tilespmem:s26], [sflag:$0xC], $0x10, s17, s20, $0xb8;
	[tilespmem:$0x10380] =	vst v63  }
0xbc: {  	_ =	swait.ge [sflag:s1], $0x800  }
0xbd: {  	[sflag:s1] =	ssyncset.done $0x0  }
0xbe: {  	[sflag:s1] =	ssyncadd.s32 $0xFFFFF800  }
0xbf: {  	_ =	swait.ge [sflag:s7], $0x800  }
0xc0: {  	[sflag:s7] =	ssyncset.done $0x0  }
0xc1: {  	[sflag:s7] =	ssyncadd.s32 $0xFFFFF800  }
0xc2: {  	_ =	swait.ge [sflag:s15], $0x800  }
0xc3: {  	[sflag:s15] =	ssyncset.done $0x0  }
0xc4: {  	[sflag:s15] =	ssyncadd.s32 $0xFFFFF800  }
0xc5: {  	_ =	swait.ge [sflag:s25], $0x800  }
0xc6: {  	[sflag:s25] =	ssyncset.done $0x0  }
0xc7: {  	[sflag:s25] =	ssyncadd.s32 $0xFFFFF800  }
0xc8: {  	_ =	swait.ge [sflag:s10], $0x800  }
.Ltmp2:
0xc9: {  	[sflag:s10] =	ssyncset.done $0x0;
	(pc) =	sbr.rel @p0 .LBB2_4-.Ltmp2, $4  }
0xca: {  	[sflag:s10] =	ssyncadd.s32 $0xFFFFF800  }
0xcb: {  	_ =	swait.ge [sflag:s28], $0x800  }
0xcc: {  	[sflag:s28] =	ssyncset.done $0x0  }
0xcd: {  	s3 =	simm.s32 $0xC00;
	s18 =	simm.s32 $0x400;
	[sflag:s28] =	ssyncadd.s32 $0xFFFFF800  }
0xce: {  	s5 =	sadd.s32 s16, s8  }
0xcf: {  	s5 =	sadd.s32 $0x180, s5  }
0xd0: {  	[tilespmem:s18], [sflag:$0x2] =	stream.linear.gather [hbm4b:s5+s29], $0x400, $0x38;
	[tilespmem:$0x10380] =	vst v63  }
.Ltmp3:
0xd1: {  	_ = 	snop;
	(pc) =	sbr.rel .LBB2_2-.Ltmp3, $4  }
0xd2: {  	s18 =	sadd.s32 s16, s13  }
0xd3: {  	s11 =	simm.s32 $0x400;
	s5 =	sadd.s32 $0x180, s18  }
0xd4: {  	[tilespmem:s3], [sflag:$0x2] =	stream.linear.gather [hbm4b:s5+s29], $0x400, $0x38;
	[tilespmem:$0x10380] =	vst v63  }
0xd5: {  	s16 =	sadd.s32 $0x100, s16;
	s18 =	simm.s32 $0xC00;
	s3 =	simm.s32 $0x0  }
.LBB2_5:
0xd6: {  	_ =	sfence.sel $0x180000  }
0xd7: {  	[bflag:$0x0] =	sbarrier.arrive $0xFFFF  }
0xd8: {  	_ =	strace $0x9000004A  }
0xd9: {  	s0 =	stileid.u32;
	[bflag:$0x2] =	sbarrier.arrive $0xFFFF  }
0xda: {  	p0 =	sne.s32 s0, $0x0;
	s0 =	rddreg [dreg:$0x3]  }
0xdb: {  	s0 =	sadd.s32 @!p0 $0x100000, s0  }
0xdc: {  	[sflag:s0] =	ssyncadd.tile.s32 @!p0 $0x1;
	_ =	shalt  }
.Lfunc_end2:
_tile_overlayer_lowered:
.L_overlay_start_2:
0xdd: {  	(tag) =	ssettag $0x2  }
0xde: {  	s0 =	rddreg [dreg:$0x0];
	s2 =	stileid.u32  }
0xdf: {  	s1 =	rddreg [dreg:$0x1];
	p0 =	sne.s32 s2, $0x0  }
0xe0: {  	s3 =	rddreg [dreg:$0x2];
	[bflag:$0x3] =	sbarrier.arrive $0xFFFF;
	s2 =	simm.s32 @!p0 $0x1C0F  }
0xe1: {  	[timem:s3], [sflag:s2] =	dma.local @!p0 [hbm:s0], s1  }
0xe2: {  	s0 =	simm.s32 @!p0 $0xF  }
0xe3: {  	_ =	swait.ge @!p0 [sflag:s0], s1  }
0xe4: {  	s1 =	ssub.s32 @!p0 $0x0, s1;
	[sflag:s0] =	ssyncset.done @!p0 $0x0  }
0xe5: {  	[sflag:s0] =	ssyncadd.s32 @!p0 s1  }
0xe6: {  	[bflag:$0x3] =	sbarrier.arrive $0xFFFF  }
0xe7: {  	_ =	shalt  }

</sc_bundles>
